<compile_context>
chip_gen: v7x
topology: tpu7x:2x2x1
jax: 0.10.2.dev20260603
libtpu: 0.0.44.dev20260713+nightly
codegen_flags: <defaults>
</compile_context>

<pallas_src>
import jax
import jax.numpy as jnp
from jax import lax
from jax.experimental import pallas as pl
from jax.experimental.pallas import tpu as pltpu
from jax.experimental.pallas import tpu_sc as plsc

L = 512
LL = L * L
NC, NS, LANES = 2, 16, 16
NW = NC * NS


def _sc_body(t_tab, p_tab, d_tab, o_tab, mask_hbm, t_idx, p_idx, d_idx,
             o_idx, out_hbm, row_v, out_v, sem):
    wid = lax.axis_index("s") * NC + lax.axis_index("c")
    total = jnp.zeros((LANES,), jnp.float32)
    for idxh in (t_idx, p_idx, d_idx, o_idx):
        pltpu.sync_copy(idxh.at[0, pl.ds(wid, 1)], row_v)
        total = total + row_v[0, pl.ds(0, LANES)].astype(jnp.float32)
    out_v[...] = total
    pltpu.sync_copy(out_v, out_hbm.at[pl.ds(wid * LANES, LANES)])



BR = 32
def _tc_body(theta_ref, phi_ref, dist_ref, omega_ref, mask_ref,
          it_ref, ip_ref, id_ref, io_ref, out_ref):
    m = mask_ref[...]
    acc = jnp.zeros((BR, L), jnp.float32)
    for ref, iref, nb in ((theta_ref, it_ref, 25),
                          (phi_ref, ip_ref, 13),
                          (dist_ref, id_ref, 37),
                          (omega_ref, io_ref, 25)):
        idx = iref[0]
        sel = ref[0, 0]
        for b in range(1, nb):
            sel = jnp.where(idx == b, ref[0, b], sel)
        acc = acc + jnp.log(sel)
    part = jnp.sum(acc * m)

    @pl.when(pl.program_id(0) == 0)
    def _():
        out_ref[0, 0] = 0.0

    out_ref[0, 0] += part



def _tc_call(theta, phi, dist, omega, mask, it, ip, idd, io):
    grid = (L // BR,)
    def dist_spec(nb):
        return pl.BlockSpec((1, nb, BR, L), lambda i: (0, 0, i, 0))
    idx_spec = pl.BlockSpec((1, BR, L), lambda i: (0, i, 0))
    return pl.pallas_call(
        _tc_body, grid=grid,
        in_specs=[dist_spec(25), dist_spec(13), dist_spec(37), dist_spec(25),
                  pl.BlockSpec((BR, L), lambda i: (i, 0)),
                  idx_spec, idx_spec, idx_spec, idx_spec],
        out_specs=pl.BlockSpec(memory_space=pltpu.SMEM),
        out_shape=jax.ShapeDtypeStruct((1, 1), jnp.float32),
    )(theta, phi, dist, omega, mask, it, ip, idd, io)

@jax.jit
def kernel(theta, phi, dist, omega, mask, idx_theta, idx_phi, idx_dist, idx_omega):
    mesh = plsc.VectorSubcoreMesh(core_axis_name="c", subcore_axis_name="s",
                                  num_cores=NC, num_subcores=NS)
    run = pl.kernel(
        _sc_body, mesh=mesh,
        out_type=jax.ShapeDtypeStruct((NW * LANES,), jnp.float32),
        scratch_types=[
            pltpu.VMEM((1, L), jnp.int32),
            pltpu.VMEM((LANES,), jnp.float32),
            pltpu.SemaphoreType.DMA,
        ],
        compiler_params=pltpu.CompilerParams(needs_layout_passes=False),
    )
    out = run(theta, phi, dist, omega, mask,
              idx_theta, idx_phi, idx_dist, idx_omega)
    tc_tot = _tc_call(theta, phi, dist, omega, mask,
                      idx_theta, idx_phi, idx_dist, idx_omega)
    return -(tc_tot[0, 0] + jnp.sum(out)) / jnp.float32(LL)

# --- scband reference (transcript-rebuilt; emitter-appended) ---
"""Pipeline reference for scband-motif-satisfaction-45561013075984 (READ-ONLY COPY).

The authoritative reference and input builder live on the scoring server;
editing this copy changes nothing except your own understanding.
"""

import jax, jax.numpy as jnp
import numpy as np

L = 512
KEYS = ['dist', 'omega', 'theta', 'phi']
NBINS = {'dist': 37, 'omega': 25, 'theta': 25, 'phi': 13}


def setup_inputs(seed: int = 0) -> dict:
    key = jax.random.key(seed)
    ks = jax.random.split(key, 10)
    inp = {}
    # predicted structure distributions (positive probabilities, as gathered by the loss)
    inp['theta'] = jax.random.uniform(ks[0], (1, NBINS['theta'], L, L), jnp.float32, 0.01, 1.0)
    inp['phi'] = jax.random.uniform(ks[1], (1, NBINS['phi'], L, L), jnp.float32, 0.01, 1.0)
    inp['dist'] = jax.random.uniform(ks[2], (1, NBINS['dist'], L, L), jnp.float32, 0.01, 1.0)
    inp['omega'] = jax.random.uniform(ks[3], (1, NBINS['omega'], L, L), jnp.float32, 0.01, 1.0)
    # binary motif mask [L, L] (module buffer self.mask)
    inp['mask'] = (jax.random.uniform(ks[4], (L, L), jnp.float32) < 0.1).astype(jnp.float32)
    # precomputed bin indices per key (module buffer self.bin_indices[key], shape [1, L, L])
    inp['idx_theta'] = jax.random.randint(ks[5], (1, L, L), 0, NBINS['theta'])
    inp['idx_phi'] = jax.random.randint(ks[6], (1, L, L), 0, NBINS['phi'])
    inp['idx_dist'] = jax.random.randint(ks[7], (1, L, L), 0, NBINS['dist'])
    inp['idx_omega'] = jax.random.randint(ks[8], (1, L, L), 0, NBINS['omega'])
    return inp


def reference(theta, phi, dist, omega, mask, idx_theta, idx_phi, idx_dist, idx_omega):
    pred = {'theta': theta, 'phi': phi, 'dist': dist, 'omega': omega}
    idx = {'theta': idx_theta, 'phi': idx_phi, 'dist': idx_dist, 'omega': idx_omega}
    motif_loss = jnp.float32(0.0)
    for k in KEYS:
        distribution = jnp.squeeze(pred[k], axis=0)  # [n_bins, L, L]
        probs = jnp.take_along_axis(distribution, idx[k], axis=0)  # gather along bin dim -> [1, L, L]
        log_probs = jnp.log(probs)
        motif_loss = motif_loss - (log_probs * mask).mean()
    return motif_loss

if __name__ == "__main__":
    import jax
    _d = setup_inputs()
    print(jax.jit(kernel)(*tuple(_d.values())))

</pallas_src>

<mosaic_0001>
#map = affine_map<(d0, d1) -> (0, 0, 0, 0)>
#map1 = affine_map<(d0, d1) -> (0, 0)>
#map2 = affine_map<(d0, d1) -> (0, 0, 0)>
#map3 = affine_map<(d0, d1) -> (0)>
module attributes {stable_mosaic.version = 14 : i64} {
  func.func @_sc_body(%arg0: i32, %arg1: i32, %arg2: memref<1x25x512x512xf32, #tpu.memory_space<hbm>>, %arg3: memref<1x13x512x512xf32, #tpu.memory_space<hbm>>, %arg4: memref<1x37x512x512xf32, #tpu.memory_space<hbm>>, %arg5: memref<1x25x512x512xf32, #tpu.memory_space<hbm>>, %arg6: memref<512x512xf32, #tpu.memory_space<hbm>>, %arg7: memref<1x512x512xi32, #tpu.memory_space<hbm>>, %arg8: memref<1x512x512xi32, #tpu.memory_space<hbm>>, %arg9: memref<1x512x512xi32, #tpu.memory_space<hbm>>, %arg10: memref<1x512x512xi32, #tpu.memory_space<hbm>>, %arg11: memref<512xf32, #tpu.memory_space<hbm>>, %arg12: memref<1x512xi32, #tpu.memory_space<vmem>>, %arg13: memref<16xf32, #tpu.memory_space<vmem>>, %arg14: memref<!tpu.dma_semaphore, #tpu.memory_space<semaphore_mem>>) attributes {dimension_semantics = [#tpu.dimension_semantics<core_parallel>, #tpu.dimension_semantics<subcore_parallel>], iteration_bounds = array<i64: 2, 16>, scalar_prefetch = 0 : i64, scratch_operands = 3 : i64, tpu.core_type = #tpu.core_type<sc_vector_subcore>, window_params = [{transform_indices = #map}, {transform_indices = #map}, {transform_indices = #map}, {transform_indices = #map}, {transform_indices = #map1}, {transform_indices = #map2}, {transform_indices = #map2}, {transform_indices = #map2}, {transform_indices = #map2}, {transform_indices = #map3}]} {
    %mul3A = arith.constant 2 : i32
    %mul3A_0 = arith.muli %arg1, %mul3A : i32
    %add3A = arith.addi %mul3A_0, %arg0 : i32
    %broadcast_in_dim3A = arith.constant 0.000000e+00 : f32
    %broadcast_in_dim3A_1 = vector.broadcast %broadcast_in_dim3A : f32 to vector<16xf32>
    %run_scoped3A = arith.constant 0 : i32
    "tpu.region"() ({
      %run_scoped3A_30 = tpu.sem_alloc : memref<!tpu.dma_semaphore, #tpu.memory_space<semaphore_mem>>
      %dma_start3A = arith.constant 0 : i32
      %dma_start3A_31 = tpu.memref_slice %arg7[%run_scoped3A, %add3A, %dma_start3A] : memref<1x512x512xi32, #tpu.memory_space<hbm>> -> memref<1x1x512xi32, #tpu.memory_space<hbm>>
      %dma_start3A_32 = tpu.memref_squeeze %dma_start3A_31 : memref<1x1x512xi32, #tpu.memory_space<hbm>> -> memref<1x512xi32, #tpu.memory_space<hbm>>
      %dma_start3A_33 = arith.constant 0 : i32
      %dma_start3A_34 = tpu.memref_slice %arg7[%run_scoped3A, %add3A, %dma_start3A_33] : memref<1x512x512xi32, #tpu.memory_space<hbm>> -> memref<1x1x512xi32, #tpu.memory_space<hbm>>
      %dma_start3A_35 = tpu.memref_squeeze %dma_start3A_34 : memref<1x1x512xi32, #tpu.memory_space<hbm>> -> memref<1x512xi32, #tpu.memory_space<hbm>>
      tpu.enqueue_dma source(%dma_start3A_35 : memref<1x512xi32, #tpu.memory_space<hbm>>) target(%arg12 : memref<1x512xi32, #tpu.memory_space<vmem>>) target_semaphore(%run_scoped3A_30 : memref<!tpu.dma_semaphore, #tpu.memory_space<semaphore_mem>>)
      %dma_wait3A = arith.constant 0 : i32
      %dma_wait3A_36 = tpu.memref_slice %arg7[%run_scoped3A, %add3A, %dma_wait3A] : memref<1x512x512xi32, #tpu.memory_space<hbm>> -> memref<1x1x512xi32, #tpu.memory_space<hbm>>
      %dma_wait3A_37 = tpu.memref_squeeze %dma_wait3A_36 : memref<1x1x512xi32, #tpu.memory_space<hbm>> -> memref<1x512xi32, #tpu.memory_space<hbm>>
      %dma_wait3A_38 = arith.constant 0 : i32
      %dma_wait3A_39 = tpu.memref_slice %arg7[%run_scoped3A, %add3A, %dma_wait3A_38] : memref<1x512x512xi32, #tpu.memory_space<hbm>> -> memref<1x1x512xi32, #tpu.memory_space<hbm>>
      %dma_wait3A_40 = tpu.memref_squeeze %dma_wait3A_39 : memref<1x1x512xi32, #tpu.memory_space<hbm>> -> memref<1x512xi32, #tpu.memory_space<hbm>>
      tpu.wait_dma2 semaphore(%run_scoped3A_30 : memref<!tpu.dma_semaphore, #tpu.memory_space<semaphore_mem>>) src(%dma_wait3A_40 : memref<1x512xi32, #tpu.memory_space<hbm>>) dst(%arg12 : memref<1x512xi32, #tpu.memory_space<vmem>>)
      tpu.yield
    }) : () -> ()
    %get3A = arith.constant 0 : i32
    %get3A_2 = arith.index_cast %get3A : i32 to index
    %get3A_3 = arith.constant 0 : index
    %get3A_4 = tpu.vector_load %arg12[%get3A_2, %get3A_3] {strides = array<i32>} : memref<1x512xi32, #tpu.memory_space<vmem>>, vector<16xi32>,
    %convert_element_type3A = arith.sitofp %get3A_4 : vector<16xi32> to vector<16xf32>
    %add3A_5 = arith.addf %broadcast_in_dim3A_1, %convert_element_type3A : vector<16xf32>
    %run_scoped3A_6 = arith.constant 0 : i32
    "tpu.region"() ({
      %run_scoped3A_30 = tpu.sem_alloc : memref<!tpu.dma_semaphore, #tpu.memory_space<semaphore_mem>>
      %dma_start3A = arith.constant 0 : i32
      %dma_start3A_31 = tpu.memref_slice %arg8[%run_scoped3A_6, %add3A, %dma_start3A] : memref<1x512x512xi32, #tpu.memory_space<hbm>> -> memref<1x1x512xi32, #tpu.memory_space<hbm>>
      %dma_start3A_32 = tpu.memref_squeeze %dma_start3A_31 : memref<1x1x512xi32, #tpu.memory_space<hbm>> -> memref<1x512xi32, #tpu.memory_space<hbm>>
      %dma_start3A_33 = arith.constant 0 : i32
      %dma_start3A_34 = tpu.memref_slice %arg8[%run_scoped3A_6, %add3A, %dma_start3A_33] : memref<1x512x512xi32, #tpu.memory_space<hbm>> -> memref<1x1x512xi32, #tpu.memory_space<hbm>>
      %dma_start3A_35 = tpu.memref_squeeze %dma_start3A_34 : memref<1x1x512xi32, #tpu.memory_space<hbm>> -> memref<1x512xi32, #tpu.memory_space<hbm>>
      tpu.enqueue_dma source(%dma_start3A_35 : memref<1x512xi32, #tpu.memory_space<hbm>>) target(%arg12 : memref<1x512xi32, #tpu.memory_space<vmem>>) target_semaphore(%run_scoped3A_30 : memref<!tpu.dma_semaphore, #tpu.memory_space<semaphore_mem>>)
      %dma_wait3A = arith.constant 0 : i32
      %dma_wait3A_36 = tpu.memref_slice %arg8[%run_scoped3A_6, %add3A, %dma_wait3A] : memref<1x512x512xi32, #tpu.memory_space<hbm>> -> memref<1x1x512xi32, #tpu.memory_space<hbm>>
      %dma_wait3A_37 = tpu.memref_squeeze %dma_wait3A_36 : memref<1x1x512xi32, #tpu.memory_space<hbm>> -> memref<1x512xi32, #tpu.memory_space<hbm>>
      %dma_wait3A_38 = arith.constant 0 : i32
      %dma_wait3A_39 = tpu.memref_slice %arg8[%run_scoped3A_6, %add3A, %dma_wait3A_38] : memref<1x512x512xi32, #tpu.memory_space<hbm>> -> memref<1x1x512xi32, #tpu.memory_space<hbm>>
      %dma_wait3A_40 = tpu.memref_squeeze %dma_wait3A_39 : memref<1x1x512xi32, #tpu.memory_space<hbm>> -> memref<1x512xi32, #tpu.memory_space<hbm>>
      tpu.wait_dma2 semaphore(%run_scoped3A_30 : memref<!tpu.dma_semaphore, #tpu.memory_space<semaphore_mem>>) src(%dma_wait3A_40 : memref<1x512xi32, #tpu.memory_space<hbm>>) dst(%arg12 : memref<1x512xi32, #tpu.memory_space<vmem>>)
      tpu.yield
    }) : () -> ()
    %get3A_7 = arith.constant 0 : i32
    %get3A_8 = arith.index_cast %get3A_7 : i32 to index
    %get3A_9 = arith.constant 0 : index
    %get3A_10 = tpu.vector_load %arg12[%get3A_8, %get3A_9] {strides = array<i32>} : memref<1x512xi32, #tpu.memory_space<vmem>>, vector<16xi32>,
    %convert_element_type3A_11 = arith.sitofp %get3A_10 : vector<16xi32> to vector<16xf32>
    %add3A_12 = arith.addf %add3A_5, %convert_element_type3A_11 : vector<16xf32>
    %run_scoped3A_13 = arith.constant 0 : i32
    "tpu.region"() ({
      %run_scoped3A_30 = tpu.sem_alloc : memref<!tpu.dma_semaphore, #tpu.memory_space<semaphore_mem>>
      %dma_start3A = arith.constant 0 : i32
      %dma_start3A_31 = tpu.memref_slice %arg9[%run_scoped3A_13, %add3A, %dma_start3A] : memref<1x512x512xi32, #tpu.memory_space<hbm>> -> memref<1x1x512xi32, #tpu.memory_space<hbm>>
      %dma_start3A_32 = tpu.memref_squeeze %dma_start3A_31 : memref<1x1x512xi32, #tpu.memory_space<hbm>> -> memref<1x512xi32, #tpu.memory_space<hbm>>
      %dma_start3A_33 = arith.constant 0 : i32
      %dma_start3A_34 = tpu.memref_slice %arg9[%run_scoped3A_13, %add3A, %dma_start3A_33] : memref<1x512x512xi32, #tpu.memory_space<hbm>> -> memref<1x1x512xi32, #tpu.memory_space<hbm>>
      %dma_start3A_35 = tpu.memref_squeeze %dma_start3A_34 : memref<1x1x512xi32, #tpu.memory_space<hbm>> -> memref<1x512xi32, #tpu.memory_space<hbm>>
      tpu.enqueue_dma source(%dma_start3A_35 : memref<1x512xi32, #tpu.memory_space<hbm>>) target(%arg12 : memref<1x512xi32, #tpu.memory_space<vmem>>) target_semaphore(%run_scoped3A_30 : memref<!tpu.dma_semaphore, #tpu.memory_space<semaphore_mem>>)
      %dma_wait3A = arith.constant 0 : i32
      %dma_wait3A_36 = tpu.memref_slice %arg9[%run_scoped3A_13, %add3A, %dma_wait3A] : memref<1x512x512xi32, #tpu.memory_space<hbm>> -> memref<1x1x512xi32, #tpu.memory_space<hbm>>
      %dma_wait3A_37 = tpu.memref_squeeze %dma_wait3A_36 : memref<1x1x512xi32, #tpu.memory_space<hbm>> -> memref<1x512xi32, #tpu.memory_space<hbm>>
      %dma_wait3A_38 = arith.constant 0 : i32
      %dma_wait3A_39 = tpu.memref_slice %arg9[%run_scoped3A_13, %add3A, %dma_wait3A_38] : memref<1x512x512xi32, #tpu.memory_space<hbm>> -> memref<1x1x512xi32, #tpu.memory_space<hbm>>
      %dma_wait3A_40 = tpu.memref_squeeze %dma_wait3A_39 : memref<1x1x512xi32, #tpu.memory_space<hbm>> -> memref<1x512xi32, #tpu.memory_space<hbm>>
      tpu.wait_dma2 semaphore(%run_scoped3A_30 : memref<!tpu.dma_semaphore, #tpu.memory_space<semaphore_mem>>) src(%dma_wait3A_40 : memref<1x512xi32, #tpu.memory_space<hbm>>) dst(%arg12 : memref<1x512xi32, #tpu.memory_space<vmem>>)
      tpu.yield
    }) : () -> ()
    %get3A_14 = arith.constant 0 : i32
    %get3A_15 = arith.index_cast %get3A_14 : i32 to index
    %get3A_16 = arith.constant 0 : index
    %get3A_17 = tpu.vector_load %arg12[%get3A_15, %get3A_16] {strides = array<i32>} : memref<1x512xi32, #tpu.memory_space<vmem>>, vector<16xi32>,
    %convert_element_type3A_18 = arith.sitofp %get3A_17 : vector<16xi32> to vector<16xf32>
    %add3A_19 = arith.addf %add3A_12, %convert_element_type3A_18 : vector<16xf32>
    %run_scoped3A_20 = arith.constant 0 : i32
    "tpu.region"() ({
      %run_scoped3A_30 = tpu.sem_alloc : memref<!tpu.dma_semaphore, #tpu.memory_space<semaphore_mem>>
      %dma_start3A = arith.constant 0 : i32
      %dma_start3A_31 = tpu.memref_slice %arg10[%run_scoped3A_20, %add3A, %dma_start3A] : memref<1x512x512xi32, #tpu.memory_space<hbm>> -> memref<1x1x512xi32, #tpu.memory_space<hbm>>
      %dma_start3A_32 = tpu.memref_squeeze %dma_start3A_31 : memref<1x1x512xi32, #tpu.memory_space<hbm>> -> memref<1x512xi32, #tpu.memory_space<hbm>>
      %dma_start3A_33 = arith.constant 0 : i32
      %dma_start3A_34 = tpu.memref_slice %arg10[%run_scoped3A_20, %add3A, %dma_start3A_33] : memref<1x512x512xi32, #tpu.memory_space<hbm>> -> memref<1x1x512xi32, #tpu.memory_space<hbm>>
      %dma_start3A_35 = tpu.memref_squeeze %dma_start3A_34 : memref<1x1x512xi32, #tpu.memory_space<hbm>> -> memref<1x512xi32, #tpu.memory_space<hbm>>
      tpu.enqueue_dma source(%dma_start3A_35 : memref<1x512xi32, #tpu.memory_space<hbm>>) target(%arg12 : memref<1x512xi32, #tpu.memory_space<vmem>>) target_semaphore(%run_scoped3A_30 : memref<!tpu.dma_semaphore, #tpu.memory_space<semaphore_mem>>)
      %dma_wait3A = arith.constant 0 : i32
      %dma_wait3A_36 = tpu.memref_slice %arg10[%run_scoped3A_20, %add3A, %dma_wait3A] : memref<1x512x512xi32, #tpu.memory_space<hbm>> -> memref<1x1x512xi32, #tpu.memory_space<hbm>>
      %dma_wait3A_37 = tpu.memref_squeeze %dma_wait3A_36 : memref<1x1x512xi32, #tpu.memory_space<hbm>> -> memref<1x512xi32, #tpu.memory_space<hbm>>
      %dma_wait3A_38 = arith.constant 0 : i32
      %dma_wait3A_39 = tpu.memref_slice %arg10[%run_scoped3A_20, %add3A, %dma_wait3A_38] : memref<1x512x512xi32, #tpu.memory_space<hbm>> -> memref<1x1x512xi32, #tpu.memory_space<hbm>>
      %dma_wait3A_40 = tpu.memref_squeeze %dma_wait3A_39 : memref<1x1x512xi32, #tpu.memory_space<hbm>> -> memref<1x512xi32, #tpu.memory_space<hbm>>
      tpu.wait_dma2 semaphore(%run_scoped3A_30 : memref<!tpu.dma_semaphore, #tpu.memory_space<semaphore_mem>>) src(%dma_wait3A_40 : memref<1x512xi32, #tpu.memory_space<hbm>>) dst(%arg12 : memref<1x512xi32, #tpu.memory_space<vmem>>)
      tpu.yield
    }) : () -> ()
    %get3A_21 = arith.constant 0 : i32
    %get3A_22 = arith.index_cast %get3A_21 : i32 to index
    %get3A_23 = arith.constant 0 : index
    %get3A_24 = tpu.vector_load %arg12[%get3A_22, %get3A_23] {strides = array<i32>} : memref<1x512xi32, #tpu.memory_space<vmem>>, vector<16xi32>,
    %convert_element_type3A_25 = arith.sitofp %get3A_24 : vector<16xi32> to vector<16xf32>
    %add3A_26 = arith.addf %add3A_19, %convert_element_type3A_25 : vector<16xf32>
    %swap3A = arith.constant 0 : index
    %swap3A_27 = tpu.vector_load %arg13[%swap3A] {strides = array<i32>} : memref<16xf32, #tpu.memory_space<vmem>>, vector<16xf32>,
    tpu.vector_store %arg13[%swap3A], %add3A_26 {strides = array<i32>} : memref<16xf32, #tpu.memory_space<vmem>>, vector<16xf32>,
    %mul3A_28 = arith.constant 16 : i32
    %mul3A_29 = arith.muli %add3A, %mul3A_28 : i32
    "tpu.region"() ({
      %run_scoped3A_30 = tpu.sem_alloc : memref<!tpu.dma_semaphore, #tpu.memory_space<semaphore_mem>>
      %dma_start3A = tpu.memref_slice %arg11[%mul3A_29] : memref<512xf32, #tpu.memory_space<hbm>> -> memref<16xf32, #tpu.memory_space<hbm>>
      %dma_start3A_31 = tpu.memref_slice %arg11[%mul3A_29] : memref<512xf32, #tpu.memory_space<hbm>> -> memref<16xf32, #tpu.memory_space<hbm>>
      tpu.enqueue_dma source(%arg13 : memref<16xf32, #tpu.memory_space<vmem>>) target(%dma_start3A_31 : memref<16xf32, #tpu.memory_space<hbm>>) target_semaphore(%run_scoped3A_30 : memref<!tpu.dma_semaphore, #tpu.memory_space<semaphore_mem>>)
      %dma_wait3A = tpu.memref_slice %arg11[%mul3A_29] : memref<512xf32, #tpu.memory_space<hbm>> -> memref<16xf32, #tpu.memory_space<hbm>>
      %dma_wait3A_32 = tpu.memref_slice %arg11[%mul3A_29] : memref<512xf32, #tpu.memory_space<hbm>> -> memref<16xf32, #tpu.memory_space<hbm>>
      tpu.wait_dma2 semaphore(%run_scoped3A_30 : memref<!tpu.dma_semaphore, #tpu.memory_space<semaphore_mem>>) src(%arg13 : memref<16xf32, #tpu.memory_space<vmem>>) dst(%dma_wait3A_32 : memref<16xf32, #tpu.memory_space<hbm>>)
      tpu.yield
    }) : () -> ()
    return
  }
}

module attributes {stable_mosaic.version = 14 : i64} {
  func.func @_tc_body(%arg0: i32, %arg1: memref<1x25x32x512xf32, #tpu.memory_space<vmem>>, %arg2: memref<1x13x32x512xf32, #tpu.memory_space<vmem>>, %arg3: memref<1x37x32x512xf32, #tpu.memory_space<vmem>>, %arg4: memref<1x25x32x512xf32, #tpu.memory_space<vmem>>, %arg5: memref<32x512xf32, #tpu.memory_space<vmem>>, %arg6: memref<1x32x512xi32, #tpu.memory_space<vmem>>, %arg7: memref<1x32x512xi32, #tpu.memory_space<vmem>>, %arg8: memref<1x32x512xi32, #tpu.memory_space<vmem>>, %arg9: memref<1x32x512xi32, #tpu.memory_space<vmem>>, %arg10: memref<1x1xf32, #tpu.memory_space<smem>>) attributes {dimension_semantics = [#tpu.dimension_semantics<arbitrary>], iteration_bounds = array<i64: 16>, scalar_prefetch = 0 : i64, scratch_operands = 0 : i64, tpu.core_type = #tpu.core_type<tc>, window_params = [{transform_indices = @transform_0, window_bounds = array<i64: 1, 25, 32, 512>}, {transform_indices = @transform_1, window_bounds = array<i64: 1, 13, 32, 512>}, {transform_indices = @transform_2, window_bounds = array<i64: 1, 37, 32, 512>}, {transform_indices = @transform_3, window_bounds = array<i64: 1, 25, 32, 512>}, {transform_indices = @transform_4, window_bounds = array<i64: 32, 512>}, {transform_indices = @transform_5, window_bounds = array<i64: 1, 32, 512>}, {transform_indices = @transform_6, window_bounds = array<i64: 1, 32, 512>}, {transform_indices = @transform_7, window_bounds = array<i64: 1, 32, 512>}, {transform_indices = @transform_8, window_bounds = array<i64: 1, 32, 512>}, {transform_indices = @transform_9, window_bounds = array<i64: 1, 1>}]} {
    %get3A = arith.constant 0 : index
    %get3A_0 = arith.constant 0 : index
    %get3A_1 = vector.load %arg5[%get3A, %get3A_0] : memref<32x512xf32, #tpu.memory_space<vmem>>, vector<32x512xf32>
    %broadcast_in_dim3A = arith.constant 0.000000e+00 : f32
    %broadcast_in_dim3A_2 = vector.broadcast %broadcast_in_dim3A : f32 to vector<32x512xf32>
    %get3A_3 = arith.constant 0 : index
    %get3A_4 = arith.constant 0 : index
    %get3A_5 = arith.constant 0 : index
    %get3A_6 = vector.load %arg6[%get3A_3, %get3A_4, %get3A_5] : memref<1x32x512xi32, #tpu.memory_space<vmem>>, vector<1x32x512xi32>
    %get3A_7 = vector.shape_cast %get3A_6 : vector<1x32x512xi32> to vector<32x512xi32>
    %get3A_8 = arith.constant 0 : index
    %get3A_9 = arith.constant 0 : index
    %get3A_10 = arith.constant 0 : index
    %get3A_11 = arith.constant 0 : index
    %get3A_12 = vector.load %arg1[%get3A_8, %get3A_9, %get3A_10, %get3A_11] : memref<1x25x32x512xf32, #tpu.memory_space<vmem>>, vector<1x1x32x512xf32>
    %get3A_13 = vector.shape_cast %get3A_12 : vector<1x1x32x512xf32> to vector<32x512xf32>
    %eq3A = arith.constant 1 : i32
    %eq3A_14 = vector.broadcast %eq3A : i32 to vector<32x512xi32>
    %eq3A_15 = arith.cmpi eq, %get3A_7, %eq3A_14 : vector<32x512xi32>
    %get3A_16 = arith.constant 0 : index
    %get3A_17 = arith.constant 1 : index
    %get3A_18 = arith.constant 0 : index
    %get3A_19 = arith.constant 0 : index
    %get3A_20 = vector.load %arg1[%get3A_16, %get3A_17, %get3A_18, %get3A_19] : memref<1x25x32x512xf32, #tpu.memory_space<vmem>>, vector<1x1x32x512xf32>
    %get3A_21 = vector.shape_cast %get3A_20 : vector<1x1x32x512xf32> to vector<32x512xf32>
    %select_n3A = arith.select %eq3A_15, %get3A_21, %get3A_13 : vector<32x512xi1>, vector<32x512xf32>
    %eq3A_22 = arith.constant 2 : i32
    %eq3A_23 = vector.broadcast %eq3A_22 : i32 to vector<32x512xi32>
    %eq3A_24 = arith.cmpi eq, %get3A_7, %eq3A_23 : vector<32x512xi32>
    %get3A_25 = arith.constant 0 : index
    %get3A_26 = arith.constant 2 : index
    %get3A_27 = arith.constant 0 : index
    %get3A_28 = arith.constant 0 : index
    %get3A_29 = vector.load %arg1[%get3A_25, %get3A_26, %get3A_27, %get3A_28] : memref<1x25x32x512xf32, #tpu.memory_space<vmem>>, vector<1x1x32x512xf32>
    %get3A_30 = vector.shape_cast %get3A_29 : vector<1x1x32x512xf32> to vector<32x512xf32>
    %select_n3A_31 = arith.select %eq3A_24, %get3A_30, %select_n3A : vector<32x512xi1>, vector<32x512xf32>
    %eq3A_32 = arith.constant 3 : i32
    %eq3A_33 = vector.broadcast %eq3A_32 : i32 to vector<32x512xi32>
    %eq3A_34 = arith.cmpi eq, %get3A_7, %eq3A_33 : vector<32x512xi32>
    %get3A_35 = arith.constant 0 : index
    %get3A_36 = arith.constant 3 : index
    %get3A_37 = arith.constant 0 : index
    %get3A_38 = arith.constant 0 : index
    %get3A_39 = vector.load %arg1[%get3A_35, %get3A_36, %get3A_37, %get3A_38] : memref<1x25x32x512xf32, #tpu.memory_space<vmem>>, vector<1x1x32x512xf32>
    %get3A_40 = vector.shape_cast %get3A_39 : vector<1x1x32x512xf32> to vector<32x512xf32>
    %select_n3A_41 = arith.select %eq3A_34, %get3A_40, %select_n3A_31 : vector<32x512xi1>, vector<32x512xf32>
    %eq3A_42 = arith.constant 4 : i32
    %eq3A_43 = vector.broadcast %eq3A_42 : i32 to vector<32x512xi32>
    %eq3A_44 = arith.cmpi eq, %get3A_7, %eq3A_43 : vector<32x512xi32>
    %get3A_45 = arith.constant 0 : index
    %get3A_46 = arith.constant 4 : index
    %get3A_47 = arith.constant 0 : index
    %get3A_48 = arith.constant 0 : index
    %get3A_49 = vector.load %arg1[%get3A_45, %get3A_46, %get3A_47, %get3A_48] : memref<1x25x32x512xf32, #tpu.memory_space<vmem>>, vector<1x1x32x512xf32>
    %get3A_50 = vector.shape_cast %get3A_49 : vector<1x1x32x512xf32> to vector<32x512xf32>
    %select_n3A_51 = arith.select %eq3A_44, %get3A_50, %select_n3A_41 : vector<32x512xi1>, vector<32x512xf32>
    %eq3A_52 = arith.constant 5 : i32
    %eq3A_53 = vector.broadcast %eq3A_52 : i32 to vector<32x512xi32>
    %eq3A_54 = arith.cmpi eq, %get3A_7, %eq3A_53 : vector<32x512xi32>
    %get3A_55 = arith.constant 0 : index
    %get3A_56 = arith.constant 5 : index
    %get3A_57 = arith.constant 0 : index
    %get3A_58 = arith.constant 0 : index
    %get3A_59 = vector.load %arg1[%get3A_55, %get3A_56, %get3A_57, %get3A_58] : memref<1x25x32x512xf32, #tpu.memory_space<vmem>>, vector<1x1x32x512xf32>
    %get3A_60 = vector.shape_cast %get3A_59 : vector<1x1x32x512xf32> to vector<32x512xf32>
    %select_n3A_61 = arith.select %eq3A_54, %get3A_60, %select_n3A_51 : vector<32x512xi1>, vector<32x512xf32>
    %eq3A_62 = arith.constant 6 : i32
    %eq3A_63 = vector.broadcast %eq3A_62 : i32 to vector<32x512xi32>
    %eq3A_64 = arith.cmpi eq, %get3A_7, %eq3A_63 : vector<32x512xi32>
    %get3A_65 = arith.constant 0 : index
    %get3A_66 = arith.constant 6 : index
    %get3A_67 = arith.constant 0 : index
    %get3A_68 = arith.constant 0 : index
    %get3A_69 = vector.load %arg1[%get3A_65, %get3A_66, %get3A_67, %get3A_68] : memref<1x25x32x512xf32, #tpu.memory_space<vmem>>, vector<1x1x32x512xf32>
    %get3A_70 = vector.shape_cast %get3A_69 : vector<1x1x32x512xf32> to vector<32x512xf32>
    %select_n3A_71 = arith.select %eq3A_64, %get3A_70, %select_n3A_61 : vector<32x512xi1>, vector<32x512xf32>
    %eq3A_72 = arith.constant 7 : i32
    %eq3A_73 = vector.broadcast %eq3A_72 : i32 to vector<32x512xi32>
    %eq3A_74 = arith.cmpi eq, %get3A_7, %eq3A_73 : vector<32x512xi32>
    %get3A_75 = arith.constant 0 : index
    %get3A_76 = arith.constant 7 : index
    %get3A_77 = arith.constant 0 : index
    %get3A_78 = arith.constant 0 : index
    %get3A_79 = vector.load %arg1[%get3A_75, %get3A_76, %get3A_77, %get3A_78] : memref<1x25x32x512xf32, #tpu.memory_space<vmem>>, vector<1x1x32x512xf32>
    %get3A_80 = vector.shape_cast %get3A_79 : vector<1x1x32x512xf32> to vector<32x512xf32>
    %select_n3A_81 = arith.select %eq3A_74, %get3A_80, %select_n3A_71 : vector<32x512xi1>, vector<32x512xf32>
    %eq3A_82 = arith.constant 8 : i32
    %eq3A_83 = vector.broadcast %eq3A_82 : i32 to vector<32x512xi32>
    %eq3A_84 = arith.cmpi eq, %get3A_7, %eq3A_83 : vector<32x512xi32>
    %get3A_85 = arith.constant 0 : index
    %get3A_86 = arith.constant 8 : index
    %get3A_87 = arith.constant 0 : index
    %get3A_88 = arith.constant 0 : index
    %get3A_89 = vector.load %arg1[%get3A_85, %get3A_86, %get3A_87, %get3A_88] : memref<1x25x32x512xf32, #tpu.memory_space<vmem>>, vector<1x1x32x512xf32>
    %get3A_90 = vector.shape_cast %get3A_89 : vector<1x1x32x512xf32> to vector<32x512xf32>
    %select_n3A_91 = arith.select %eq3A_84, %get3A_90, %select_n3A_81 : vector<32x512xi1>, vector<32x512xf32>
    %eq3A_92 = arith.constant 9 : i32
    %eq3A_93 = vector.broadcast %eq3A_92 : i32 to vector<32x512xi32>
    %eq3A_94 = arith.cmpi eq, %get3A_7, %eq3A_93 : vector<32x512xi32>
    %get3A_95 = arith.constant 0 : index
    %get3A_96 = arith.constant 9 : index
    %get3A_97 = arith.constant 0 : index
    %get3A_98 = arith.constant 0 : index
    %get3A_99 = vector.load %arg1[%get3A_95, %get3A_96, %get3A_97, %get3A_98] : memref<1x25x32x512xf32, #tpu.memory_space<vmem>>, vector<1x1x32x512xf32>
    %get3A_100 = vector.shape_cast %get3A_99 : vector<1x1x32x512xf32> to vector<32x512xf32>
    %select_n3A_101 = arith.select %eq3A_94, %get3A_100, %select_n3A_91 : vector<32x512xi1>, vector<32x512xf32>
    %eq3A_102 = arith.constant 10 : i32
    %eq3A_103 = vector.broadcast %eq3A_102 : i32 to vector<32x512xi32>
    %eq3A_104 = arith.cmpi eq, %get3A_7, %eq3A_103 : vector<32x512xi32>
    %get3A_105 = arith.constant 0 : index
    %get3A_106 = arith.constant 10 : index
    %get3A_107 = arith.constant 0 : index
    %get3A_108 = arith.constant 0 : index
    %get3A_109 = vector.load %arg1[%get3A_105, %get3A_106, %get3A_107, %get3A_108] : memref<1x25x32x512xf32, #tpu.memory_space<vmem>>, vector<1x1x32x512xf32>
    %get3A_110 = vector.shape_cast %get3A_109 : vector<1x1x32x512xf32> to vector<32x512xf32>
    %select_n3A_111 = arith.select %eq3A_104, %get3A_110, %select_n3A_101 : vector<32x512xi1>, vector<32x512xf32>
    %eq3A_112 = arith.constant 11 : i32
    %eq3A_113 = vector.broadcast %eq3A_112 : i32 to vector<32x512xi32>
    %eq3A_114 = arith.cmpi eq, %get3A_7, %eq3A_113 : vector<32x512xi32>
    %get3A_115 = arith.constant 0 : index
    %get3A_116 = arith.constant 11 : index
    %get3A_117 = arith.constant 0 : index
    %get3A_118 = arith.constant 0 : index
    %get3A_119 = vector.load %arg1[%get3A_115, %get3A_116, %get3A_117, %get3A_118] : memref<1x25x32x512xf32, #tpu.memory_space<vmem>>, vector<1x1x32x512xf32>
    %get3A_120 = vector.shape_cast %get3A_119 : vector<1x1x32x512xf32> to vector<32x512xf32>
    %select_n3A_121 = arith.select %eq3A_114, %get3A_120, %select_n3A_111 : vector<32x512xi1>, vector<32x512xf32>
    %eq3A_122 = arith.constant 12 : i32
    %eq3A_123 = vector.broadcast %eq3A_122 : i32 to vector<32x512xi32>
    %eq3A_124 = arith.cmpi eq, %get3A_7, %eq3A_123 : vector<32x512xi32>
    %get3A_125 = arith.constant 0 : index
    %get3A_126 = arith.constant 12 : index
    %get3A_127 = arith.constant 0 : index
    %get3A_128 = arith.constant 0 : index
    %get3A_129 = vector.load %arg1[%get3A_125, %get3A_126, %get3A_127, %get3A_128] : memref<1x25x32x512xf32, #tpu.memory_space<vmem>>, vector<1x1x32x512xf32>
    %get3A_130 = vector.shape_cast %get3A_129 : vector<1x1x32x512xf32> to vector<32x512xf32>
    %select_n3A_131 = arith.select %eq3A_124, %get3A_130, %select_n3A_121 : vector<32x512xi1>, vector<32x512xf32>
    %eq3A_132 = arith.constant 13 : i32
    %eq3A_133 = vector.broadcast %eq3A_132 : i32 to vector<32x512xi32>
    %eq3A_134 = arith.cmpi eq, %get3A_7, %eq3A_133 : vector<32x512xi32>
    %get3A_135 = arith.constant 0 : index
    %get3A_136 = arith.constant 13 : index
    %get3A_137 = arith.constant 0 : index
    %get3A_138 = arith.constant 0 : index
    %get3A_139 = vector.load %arg1[%get3A_135, %get3A_136, %get3A_137, %get3A_138] : memref<1x25x32x512xf32, #tpu.memory_space<vmem>>, vector<1x1x32x512xf32>
    %get3A_140 = vector.shape_cast %get3A_139 : vector<1x1x32x512xf32> to vector<32x512xf32>
    %select_n3A_141 = arith.select %eq3A_134, %get3A_140, %select_n3A_131 : vector<32x512xi1>, vector<32x512xf32>
    %eq3A_142 = arith.constant 14 : i32
    %eq3A_143 = vector.broadcast %eq3A_142 : i32 to vector<32x512xi32>
    %eq3A_144 = arith.cmpi eq, %get3A_7, %eq3A_143 : vector<32x512xi32>
    %get3A_145 = arith.constant 0 : index
    %get3A_146 = arith.constant 14 : index
    %get3A_147 = arith.constant 0 : index
    %get3A_148 = arith.constant 0 : index
    %get3A_149 = vector.load %arg1[%get3A_145, %get3A_146, %get3A_147, %get3A_148] : memref<1x25x32x512xf32, #tpu.memory_space<vmem>>, vector<1x1x32x512xf32>
    %get3A_150 = vector.shape_cast %get3A_149 : vector<1x1x32x512xf32> to vector<32x512xf32>
    %select_n3A_151 = arith.select %eq3A_144, %get3A_150, %select_n3A_141 : vector<32x512xi1>, vector<32x512xf32>
    %eq3A_152 = arith.constant 15 : i32
    %eq3A_153 = vector.broadcast %eq3A_152 : i32 to vector<32x512xi32>
    %eq3A_154 = arith.cmpi eq, %get3A_7, %eq3A_153 : vector<32x512xi32>
    %get3A_155 = arith.constant 0 : index
    %get3A_156 = arith.constant 15 : index
    %get3A_157 = arith.constant 0 : index
    %get3A_158 = arith.constant 0 : index
    %get3A_159 = vector.load %arg1[%get3A_155, %get3A_156, %get3A_157, %get3A_158] : memref<1x25x32x512xf32, #tpu.memory_space<vmem>>, vector<1x1x32x512xf32>
    %get3A_160 = vector.shape_cast %get3A_159 : vector<1x1x32x512xf32> to vector<32x512xf32>
    %select_n3A_161 = arith.select %eq3A_154, %get3A_160, %select_n3A_151 : vector<32x512xi1>, vector<32x512xf32>
    %eq3A_162 = arith.constant 16 : i32
    %eq3A_163 = vector.broadcast %eq3A_162 : i32 to vector<32x512xi32>
    %eq3A_164 = arith.cmpi eq, %get3A_7, %eq3A_163 : vector<32x512xi32>
    %get3A_165 = arith.constant 0 : index
    %get3A_166 = arith.constant 16 : index
    %get3A_167 = arith.constant 0 : index
    %get3A_168 = arith.constant 0 : index
    %get3A_169 = vector.load %arg1[%get3A_165, %get3A_166, %get3A_167, %get3A_168] : memref<1x25x32x512xf32, #tpu.memory_space<vmem>>, vector<1x1x32x512xf32>
    %get3A_170 = vector.shape_cast %get3A_169 : vector<1x1x32x512xf32> to vector<32x512xf32>
    %select_n3A_171 = arith.select %eq3A_164, %get3A_170, %select_n3A_161 : vector<32x512xi1>, vector<32x512xf32>
    %eq3A_172 = arith.constant 17 : i32
    %eq3A_173 = vector.broadcast %eq3A_172 : i32 to vector<32x512xi32>
    %eq3A_174 = arith.cmpi eq, %get3A_7, %eq3A_173 : vector<32x512xi32>
    %get3A_175 = arith.constant 0 : index
    %get3A_176 = arith.constant 17 : index
    %get3A_177 = arith.constant 0 : index
    %get3A_178 = arith.constant 0 : index
    %get3A_179 = vector.load %arg1[%get3A_175, %get3A_176, %get3A_177, %get3A_178] : memref<1x25x32x512xf32, #tpu.memory_space<vmem>>, vector<1x1x32x512xf32>
    %get3A_180 = vector.shape_cast %get3A_179 : vector<1x1x32x512xf32> to vector<32x512xf32>
    %select_n3A_181 = arith.select %eq3A_174, %get3A_180, %select_n3A_171 : vector<32x512xi1>, vector<32x512xf32>
    %eq3A_182 = arith.constant 18 : i32
    %eq3A_183 = vector.broadcast %eq3A_182 : i32 to vector<32x512xi32>
    %eq3A_184 = arith.cmpi eq, %get3A_7, %eq3A_183 : vector<32x512xi32>
    %get3A_185 = arith.constant 0 : index
    %get3A_186 = arith.constant 18 : index
    %get3A_187 = arith.constant 0 : index
    %get3A_188 = arith.constant 0 : index
    %get3A_189 = vector.load %arg1[%get3A_185, %get3A_186, %get3A_187, %get3A_188] : memref<1x25x32x512xf32, #tpu.memory_space<vmem>>, vector<1x1x32x512xf32>
    %get3A_190 = vector.shape_cast %get3A_189 : vector<1x1x32x512xf32> to vector<32x512xf32>
    %select_n3A_191 = arith.select %eq3A_184, %get3A_190, %select_n3A_181 : vector<32x512xi1>, vector<32x512xf32>
    %eq3A_192 = arith.constant 19 : i32
    %eq3A_193 = vector.broadcast %eq3A_192 : i32 to vector<32x512xi32>
    %eq3A_194 = arith.cmpi eq, %get3A_7, %eq3A_193 : vector<32x512xi32>
    %get3A_195 = arith.constant 0 : index
    %get3A_196 = arith.constant 19 : index
    %get3A_197 = arith.constant 0 : index
    %get3A_198 = arith.constant 0 : index
    %get3A_199 = vector.load %arg1[%get3A_195, %get3A_196, %get3A_197, %get3A_198] : memref<1x25x32x512xf32, #tpu.memory_space<vmem>>, vector<1x1x32x512xf32>
    %get3A_200 = vector.shape_cast %get3A_199 : vector<1x1x32x512xf32> to vector<32x512xf32>
    %select_n3A_201 = arith.select %eq3A_194, %get3A_200, %select_n3A_191 : vector<32x512xi1>, vector<32x512xf32>
    %eq3A_202 = arith.constant 20 : i32
    %eq3A_203 = vector.broadcast %eq3A_202 : i32 to vector<32x512xi32>
    %eq3A_204 = arith.cmpi eq, %get3A_7, %eq3A_203 : vector<32x512xi32>
    %get3A_205 = arith.constant 0 : index
    %get3A_206 = arith.constant 20 : index
    %get3A_207 = arith.constant 0 : index
    %get3A_208 = arith.constant 0 : index
    %get3A_209 = vector.load %arg1[%get3A_205, %get3A_206, %get3A_207, %get3A_208] : memref<1x25x32x512xf32, #tpu.memory_space<vmem>>, vector<1x1x32x512xf32>
    %get3A_210 = vector.shape_cast %get3A_209 : vector<1x1x32x512xf32> to vector<32x512xf32>
    %select_n3A_211 = arith.select %eq3A_204, %get3A_210, %select_n3A_201 : vector<32x512xi1>, vector<32x512xf32>
    %eq3A_212 = arith.constant 21 : i32
    %eq3A_213 = vector.broadcast %eq3A_212 : i32 to vector<32x512xi32>
    %eq3A_214 = arith.cmpi eq, %get3A_7, %eq3A_213 : vector<32x512xi32>
    %get3A_215 = arith.constant 0 : index
    %get3A_216 = arith.constant 21 : index
    %get3A_217 = arith.constant 0 : index
    %get3A_218 = arith.constant 0 : index
    %get3A_219 = vector.load %arg1[%get3A_215, %get3A_216, %get3A_217, %get3A_218] : memref<1x25x32x512xf32, #tpu.memory_space<vmem>>, vector<1x1x32x512xf32>
    %get3A_220 = vector.shape_cast %get3A_219 : vector<1x1x32x512xf32> to vector<32x512xf32>
    %select_n3A_221 = arith.select %eq3A_214, %get3A_220, %select_n3A_211 : vector<32x512xi1>, vector<32x512xf32>
    %eq3A_222 = arith.constant 22 : i32
    %eq3A_223 = vector.broadcast %eq3A_222 : i32 to vector<32x512xi32>
    %eq3A_224 = arith.cmpi eq, %get3A_7, %eq3A_223 : vector<32x512xi32>
    %get3A_225 = arith.constant 0 : index
    %get3A_226 = arith.constant 22 : index
    %get3A_227 = arith.constant 0 : index
    %get3A_228 = arith.constant 0 : index
    %get3A_229 = vector.load %arg1[%get3A_225, %get3A_226, %get3A_227, %get3A_228] : memref<1x25x32x512xf32, #tpu.memory_space<vmem>>, vector<1x1x32x512xf32>
    %get3A_230 = vector.shape_cast %get3A_229 : vector<1x1x32x512xf32> to vector<32x512xf32>
    %select_n3A_231 = arith.select %eq3A_224, %get3A_230, %select_n3A_221 : vector<32x512xi1>, vector<32x512xf32>
    %eq3A_232 = arith.constant 23 : i32
    %eq3A_233 = vector.broadcast %eq3A_232 : i32 to vector<32x512xi32>
    %eq3A_234 = arith.cmpi eq, %get3A_7, %eq3A_233 : vector<32x512xi32>
    %get3A_235 = arith.constant 0 : index
    %get3A_236 = arith.constant 23 : index
    %get3A_237 = arith.constant 0 : index
    %get3A_238 = arith.constant 0 : index
    %get3A_239 = vector.load %arg1[%get3A_235, %get3A_236, %get3A_237, %get3A_238] : memref<1x25x32x512xf32, #tpu.memory_space<vmem>>, vector<1x1x32x512xf32>
    %get3A_240 = vector.shape_cast %get3A_239 : vector<1x1x32x512xf32> to vector<32x512xf32>
    %select_n3A_241 = arith.select %eq3A_234, %get3A_240, %select_n3A_231 : vector<32x512xi1>, vector<32x512xf32>
    %eq3A_242 = arith.constant 24 : i32
    %eq3A_243 = vector.broadcast %eq3A_242 : i32 to vector<32x512xi32>
    %eq3A_244 = arith.cmpi eq, %get3A_7, %eq3A_243 : vector<32x512xi32>
    %get3A_245 = arith.constant 0 : index
    %get3A_246 = arith.constant 24 : index
    %get3A_247 = arith.constant 0 : index
    %get3A_248 = arith.constant 0 : index
    %get3A_249 = vector.load %arg1[%get3A_245, %get3A_246, %get3A_247, %get3A_248] : memref<1x25x32x512xf32, #tpu.memory_space<vmem>>, vector<1x1x32x512xf32>
    %get3A_250 = vector.shape_cast %get3A_249 : vector<1x1x32x512xf32> to vector<32x512xf32>
    %select_n3A_251 = arith.select %eq3A_244, %get3A_250, %select_n3A_241 : vector<32x512xi1>, vector<32x512xf32>
    %log3A = math.log %select_n3A_251 : vector<32x512xf32>
    %add3A = arith.addf %broadcast_in_dim3A_2, %log3A : vector<32x512xf32>
    %get3A_252 = arith.constant 0 : index
    %get3A_253 = arith.constant 0 : index
    %get3A_254 = arith.constant 0 : index
    %get3A_255 = vector.load %arg7[%get3A_252, %get3A_253, %get3A_254] : memref<1x32x512xi32, #tpu.memory_space<vmem>>, vector<1x32x512xi32>
    %get3A_256 = vector.shape_cast %get3A_255 : vector<1x32x512xi32> to vector<32x512xi32>
    %get3A_257 = arith.constant 0 : index
    %get3A_258 = arith.constant 0 : index
    %get3A_259 = arith.constant 0 : index
    %get3A_260 = arith.constant 0 : index
    %get3A_261 = vector.load %arg2[%get3A_257, %get3A_258, %get3A_259, %get3A_260] : memref<1x13x32x512xf32, #tpu.memory_space<vmem>>, vector<1x1x32x512xf32>
    %get3A_262 = vector.shape_cast %get3A_261 : vector<1x1x32x512xf32> to vector<32x512xf32>
    %eq3A_263 = arith.constant 1 : i32
    %eq3A_264 = vector.broadcast %eq3A_263 : i32 to vector<32x512xi32>
    %eq3A_265 = arith.cmpi eq, %get3A_256, %eq3A_264 : vector<32x512xi32>
    %get3A_266 = arith.constant 0 : index
    %get3A_267 = arith.constant 1 : index
    %get3A_268 = arith.constant 0 : index
    %get3A_269 = arith.constant 0 : index
    %get3A_270 = vector.load %arg2[%get3A_266, %get3A_267, %get3A_268, %get3A_269] : memref<1x13x32x512xf32, #tpu.memory_space<vmem>>, vector<1x1x32x512xf32>
    %get3A_271 = vector.shape_cast %get3A_270 : vector<1x1x32x512xf32> to vector<32x512xf32>
    %select_n3A_272 = arith.select %eq3A_265, %get3A_271, %get3A_262 : vector<32x512xi1>, vector<32x512xf32>
    %eq3A_273 = arith.constant 2 : i32
    %eq3A_274 = vector.broadcast %eq3A_273 : i32 to vector<32x512xi32>
    %eq3A_275 = arith.cmpi eq, %get3A_256, %eq3A_274 : vector<32x512xi32>
    %get3A_276 = arith.constant 0 : index
    %get3A_277 = arith.constant 2 : index
    %get3A_278 = arith.constant 0 : index
    %get3A_279 = arith.constant 0 : index
    %get3A_280 = vector.load %arg2[%get3A_276, %get3A_277, %get3A_278, %get3A_279] : memref<1x13x32x512xf32, #tpu.memory_space<vmem>>, vector<1x1x32x512xf32>
    %get3A_281 = vector.shape_cast %get3A_280 : vector<1x1x32x512xf32> to vector<32x512xf32>
    %select_n3A_282 = arith.select %eq3A_275, %get3A_281, %select_n3A_272 : vector<32x512xi1>, vector<32x512xf32>
    %eq3A_283 = arith.constant 3 : i32
    %eq3A_284 = vector.broadcast %eq3A_283 : i32 to vector<32x512xi32>
    %eq3A_285 = arith.cmpi eq, %get3A_256, %eq3A_284 : vector<32x512xi32>
    %get3A_286 = arith.constant 0 : index
    %get3A_287 = arith.constant 3 : index
    %get3A_288 = arith.constant 0 : index
    %get3A_289 = arith.constant 0 : index
    %get3A_290 = vector.load %arg2[%get3A_286, %get3A_287, %get3A_288, %get3A_289] : memref<1x13x32x512xf32, #tpu.memory_space<vmem>>, vector<1x1x32x512xf32>
    %get3A_291 = vector.shape_cast %get3A_290 : vector<1x1x32x512xf32> to vector<32x512xf32>
    %select_n3A_292 = arith.select %eq3A_285, %get3A_291, %select_n3A_282 : vector<32x512xi1>, vector<32x512xf32>
    %eq3A_293 = arith.constant 4 : i32
    %eq3A_294 = vector.broadcast %eq3A_293 : i32 to vector<32x512xi32>
    %eq3A_295 = arith.cmpi eq, %get3A_256, %eq3A_294 : vector<32x512xi32>
    %get3A_296 = arith.constant 0 : index
    %get3A_297 = arith.constant 4 : index
    %get3A_298 = arith.constant 0 : index
    %get3A_299 = arith.constant 0 : index
    %get3A_300 = vector.load %arg2[%get3A_296, %get3A_297, %get3A_298, %get3A_299] : memref<1x13x32x512xf32, #tpu.memory_space<vmem>>, vector<1x1x32x512xf32>
    %get3A_301 = vector.shape_cast %get3A_300 : vector<1x1x32x512xf32> to vector<32x512xf32>
    %select_n3A_302 = arith.select %eq3A_295, %get3A_301, %select_n3A_292 : vector<32x512xi1>, vector<32x512xf32>
    %eq3A_303 = arith.constant 5 : i32
    %eq3A_304 = vector.broadcast %eq3A_303 : i32 to vector<32x512xi32>
    %eq3A_305 = arith.cmpi eq, %get3A_256, %eq3A_304 : vector<32x512xi32>
    %get3A_306 = arith.constant 0 : index
    %get3A_307 = arith.constant 5 : index
    %get3A_308 = arith.constant 0 : index
    %get3A_309 = arith.constant 0 : index
    %get3A_310 = vector.load %arg2[%get3A_306, %get3A_307, %get3A_308, %get3A_309] : memref<1x13x32x512xf32, #tpu.memory_space<vmem>>, vector<1x1x32x512xf32>
    %get3A_311 = vector.shape_cast %get3A_310 : vector<1x1x32x512xf32> to vector<32x512xf32>
    %select_n3A_312 = arith.select %eq3A_305, %get3A_311, %select_n3A_302 : vector<32x512xi1>, vector<32x512xf32>
    %eq3A_313 = arith.constant 6 : i32
    %eq3A_314 = vector.broadcast %eq3A_313 : i32 to vector<32x512xi32>
    %eq3A_315 = arith.cmpi eq, %get3A_256, %eq3A_314 : vector<32x512xi32>
    %get3A_316 = arith.constant 0 : index
    %get3A_317 = arith.constant 6 : index
    %get3A_318 = arith.constant 0 : index
    %get3A_319 = arith.constant 0 : index
    %get3A_320 = vector.load %arg2[%get3A_316, %get3A_317, %get3A_318, %get3A_319] : memref<1x13x32x512xf32, #tpu.memory_space<vmem>>, vector<1x1x32x512xf32>
    %get3A_321 = vector.shape_cast %get3A_320 : vector<1x1x32x512xf32> to vector<32x512xf32>
    %select_n3A_322 = arith.select %eq3A_315, %get3A_321, %select_n3A_312 : vector<32x512xi1>, vector<32x512xf32>
    %eq3A_323 = arith.constant 7 : i32
    %eq3A_324 = vector.broadcast %eq3A_323 : i32 to vector<32x512xi32>
    %eq3A_325 = arith.cmpi eq, %get3A_256, %eq3A_324 : vector<32x512xi32>
    %get3A_326 = arith.constant 0 : index
    %get3A_327 = arith.constant 7 : index
    %get3A_328 = arith.constant 0 : index
    %get3A_329 = arith.constant 0 : index
    %get3A_330 = vector.load %arg2[%get3A_326, %get3A_327, %get3A_328, %get3A_329] : memref<1x13x32x512xf32, #tpu.memory_space<vmem>>, vector<1x1x32x512xf32>
    %get3A_331 = vector.shape_cast %get3A_330 : vector<1x1x32x512xf32> to vector<32x512xf32>
    %select_n3A_332 = arith.select %eq3A_325, %get3A_331, %select_n3A_322 : vector<32x512xi1>, vector<32x512xf32>
    %eq3A_333 = arith.constant 8 : i32
    %eq3A_334 = vector.broadcast %eq3A_333 : i32 to vector<32x512xi32>
    %eq3A_335 = arith.cmpi eq, %get3A_256, %eq3A_334 : vector<32x512xi32>
    %get3A_336 = arith.constant 0 : index
    %get3A_337 = arith.constant 8 : index
    %get3A_338 = arith.constant 0 : index
    %get3A_339 = arith.constant 0 : index
    %get3A_340 = vector.load %arg2[%get3A_336, %get3A_337, %get3A_338, %get3A_339] : memref<1x13x32x512xf32, #tpu.memory_space<vmem>>, vector<1x1x32x512xf32>
    %get3A_341 = vector.shape_cast %get3A_340 : vector<1x1x32x512xf32> to vector<32x512xf32>
    %select_n3A_342 = arith.select %eq3A_335, %get3A_341, %select_n3A_332 : vector<32x512xi1>, vector<32x512xf32>
    %eq3A_343 = arith.constant 9 : i32
    %eq3A_344 = vector.broadcast %eq3A_343 : i32 to vector<32x512xi32>
    %eq3A_345 = arith.cmpi eq, %get3A_256, %eq3A_344 : vector<32x512xi32>
    %get3A_346 = arith.constant 0 : index
    %get3A_347 = arith.constant 9 : index
    %get3A_348 = arith.constant 0 : index
    %get3A_349 = arith.constant 0 : index
    %get3A_350 = vector.load %arg2[%get3A_346, %get3A_347, %get3A_348, %get3A_349] : memref<1x13x32x512xf32, #tpu.memory_space<vmem>>, vector<1x1x32x512xf32>
    %get3A_351 = vector.shape_cast %get3A_350 : vector<1x1x32x512xf32> to vector<32x512xf32>
    %select_n3A_352 = arith.select %eq3A_345, %get3A_351, %select_n3A_342 : vector<32x512xi1>, vector<32x512xf32>
    %eq3A_353 = arith.constant 10 : i32
    %eq3A_354 = vector.broadcast %eq3A_353 : i32 to vector<32x512xi32>
    %eq3A_355 = arith.cmpi eq, %get3A_256, %eq3A_354 : vector<32x512xi32>
    %get3A_356 = arith.constant 0 : index
    %get3A_357 = arith.constant 10 : index
    %get3A_358 = arith.constant 0 : index
    %get3A_359 = arith.constant 0 : index
    %get3A_360 = vector.load %arg2[%get3A_356, %get3A_357, %get3A_358, %get3A_359] : memref<1x13x32x512xf32, #tpu.memory_space<vmem>>, vector<1x1x32x512xf32>
    %get3A_361 = vector.shape_cast %get3A_360 : vector<1x1x32x512xf32> to vector<32x512xf32>
    %select_n3A_362 = arith.select %eq3A_355, %get3A_361, %select_n3A_352 : vector<32x512xi1>, vector<32x512xf32>
    %eq3A_363 = arith.constant 11 : i32
    %eq3A_364 = vector.broadcast %eq3A_363 : i32 to vector<32x512xi32>
    %eq3A_365 = arith.cmpi eq, %get3A_256, %eq3A_364 : vector<32x512xi32>
    %get3A_366 = arith.constant 0 : index
    %get3A_367 = arith.constant 11 : index
    %get3A_368 = arith.constant 0 : index
    %get3A_369 = arith.constant 0 : index
    %get3A_370 = vector.load %arg2[%get3A_366, %get3A_367, %get3A_368, %get3A_369] : memref<1x13x32x512xf32, #tpu.memory_space<vmem>>, vector<1x1x32x512xf32>
    %get3A_371 = vector.shape_cast %get3A_370 : vector<1x1x32x512xf32> to vector<32x512xf32>
    %select_n3A_372 = arith.select %eq3A_365, %get3A_371, %select_n3A_362 : vector<32x512xi1>, vector<32x512xf32>
    %eq3A_373 = arith.constant 12 : i32
    %eq3A_374 = vector.broadcast %eq3A_373 : i32 to vector<32x512xi32>
    %eq3A_375 = arith.cmpi eq, %get3A_256, %eq3A_374 : vector<32x512xi32>
    %get3A_376 = arith.constant 0 : index
    %get3A_377 = arith.constant 12 : index
    %get3A_378 = arith.constant 0 : index
    %get3A_379 = arith.constant 0 : index
    %get3A_380 = vector.load %arg2[%get3A_376, %get3A_377, %get3A_378, %get3A_379] : memref<1x13x32x512xf32, #tpu.memory_space<vmem>>, vector<1x1x32x512xf32>
    %get3A_381 = vector.shape_cast %get3A_380 : vector<1x1x32x512xf32> to vector<32x512xf32>
    %select_n3A_382 = arith.select %eq3A_375, %get3A_381, %select_n3A_372 : vector<32x512xi1>, vector<32x512xf32>
    %log3A_383 = math.log %select_n3A_382 : vector<32x512xf32>
    %add3A_384 = arith.addf %add3A, %log3A_383 : vector<32x512xf32>
    %get3A_385 = arith.constant 0 : index
    %get3A_386 = arith.constant 0 : index
    %get3A_387 = arith.constant 0 : index
    %get3A_388 = vector.load %arg8[%get3A_385, %get3A_386, %get3A_387] : memref<1x32x512xi32, #tpu.memory_space<vmem>>, vector<1x32x512xi32>
    %get3A_389 = vector.shape_cast %get3A_388 : vector<1x32x512xi32> to vector<32x512xi32>
    %get3A_390 = arith.constant 0 : index
    %get3A_391 = arith.constant 0 : index
    %get3A_392 = arith.constant 0 : index
    %get3A_393 = arith.constant 0 : index
    %get3A_394 = vector.load %arg3[%get3A_390, %get3A_391, %get3A_392, %get3A_393] : memref<1x37x32x512xf32, #tpu.memory_space<vmem>>, vector<1x1x32x512xf32>
    %get3A_395 = vector.shape_cast %get3A_394 : vector<1x1x32x512xf32> to vector<32x512xf32>
    %eq3A_396 = arith.constant 1 : i32
    %eq3A_397 = vector.broadcast %eq3A_396 : i32 to vector<32x512xi32>
    %eq3A_398 = arith.cmpi eq, %get3A_389, %eq3A_397 : vector<32x512xi32>
    %get3A_399 = arith.constant 0 : index
    %get3A_400 = arith.constant 1 : index
    %get3A_401 = arith.constant 0 : index
    %get3A_402 = arith.constant 0 : index
    %get3A_403 = vector.load %arg3[%get3A_399, %get3A_400, %get3A_401, %get3A_402] : memref<1x37x32x512xf32, #tpu.memory_space<vmem>>, vector<1x1x32x512xf32>
    %get3A_404 = vector.shape_cast %get3A_403 : vector<1x1x32x512xf32> to vector<32x512xf32>
    %select_n3A_405 = arith.select %eq3A_398, %get3A_404, %get3A_395 : vector<32x512xi1>, vector<32x512xf32>
    %eq3A_406 = arith.constant 2 : i32
    %eq3A_407 = vector.broadcast %eq3A_406 : i32 to vector<32x512xi32>
    %eq3A_408 = arith.cmpi eq, %get3A_389, %eq3A_407 : vector<32x512xi32>
    %get3A_409 = arith.constant 0 : index
    %get3A_410 = arith.constant 2 : index
    %get3A_411 = arith.constant 0 : index
    %get3A_412 = arith.constant 0 : index
    %get3A_413 = vector.load %arg3[%get3A_409, %get3A_410, %get3A_411, %get3A_412] : memref<1x37x32x512xf32, #tpu.memory_space<vmem>>, vector<1x1x32x512xf32>
    %get3A_414 = vector.shape_cast %get3A_413 : vector<1x1x32x512xf32> to vector<32x512xf32>
    %select_n3A_415 = arith.select %eq3A_408, %get3A_414, %select_n3A_405 : vector<32x512xi1>, vector<32x512xf32>
    %eq3A_416 = arith.constant 3 : i32
    %eq3A_417 = vector.broadcast %eq3A_416 : i32 to vector<32x512xi32>
    %eq3A_418 = arith.cmpi eq, %get3A_389, %eq3A_417 : vector<32x512xi32>
    %get3A_419 = arith.constant 0 : index
    %get3A_420 = arith.constant 3 : index
    %get3A_421 = arith.constant 0 : index
    %get3A_422 = arith.constant 0 : index
    %get3A_423 = vector.load %arg3[%get3A_419, %get3A_420, %get3A_421, %get3A_422] : memref<1x37x32x512xf32, #tpu.memory_space<vmem>>, vector<1x1x32x512xf32>
    %get3A_424 = vector.shape_cast %get3A_423 : vector<1x1x32x512xf32> to vector<32x512xf32>
    %select_n3A_425 = arith.select %eq3A_418, %get3A_424, %select_n3A_415 : vector<32x512xi1>, vector<32x512xf32>
    %eq3A_426 = arith.constant 4 : i32
    %eq3A_427 = vector.broadcast %eq3A_426 : i32 to vector<32x512xi32>
    %eq3A_428 = arith.cmpi eq, %get3A_389, %eq3A_427 : vector<32x512xi32>
    %get3A_429 = arith.constant 0 : index
    %get3A_430 = arith.constant 4 : index
    %get3A_431 = arith.constant 0 : index
    %get3A_432 = arith.constant 0 : index
    %get3A_433 = vector.load %arg3[%get3A_429, %get3A_430, %get3A_431, %get3A_432] : memref<1x37x32x512xf32, #tpu.memory_space<vmem>>, vector<1x1x32x512xf32>
    %get3A_434 = vector.shape_cast %get3A_433 : vector<1x1x32x512xf32> to vector<32x512xf32>
    %select_n3A_435 = arith.select %eq3A_428, %get3A_434, %select_n3A_425 : vector<32x512xi1>, vector<32x512xf32>
    %eq3A_436 = arith.constant 5 : i32
    %eq3A_437 = vector.broadcast %eq3A_436 : i32 to vector<32x512xi32>
    %eq3A_438 = arith.cmpi eq, %get3A_389, %eq3A_437 : vector<32x512xi32>
    %get3A_439 = arith.constant 0 : index
    %get3A_440 = arith.constant 5 : index
    %get3A_441 = arith.constant 0 : index
    %get3A_442 = arith.constant 0 : index
    %get3A_443 = vector.load %arg3[%get3A_439, %get3A_440, %get3A_441, %get3A_442] : memref<1x37x32x512xf32, #tpu.memory_space<vmem>>, vector<1x1x32x512xf32>
    %get3A_444 = vector.shape_cast %get3A_443 : vector<1x1x32x512xf32> to vector<32x512xf32>
    %select_n3A_445 = arith.select %eq3A_438, %get3A_444, %select_n3A_435 : vector<32x512xi1>, vector<32x512xf32>
    %eq3A_446 = arith.constant 6 : i32
    %eq3A_447 = vector.broadcast %eq3A_446 : i32 to vector<32x512xi32>
    %eq3A_448 = arith.cmpi eq, %get3A_389, %eq3A_447 : vector<32x512xi32>
    %get3A_449 = arith.constant 0 : index
    %get3A_450 = arith.constant 6 : index
    %get3A_451 = arith.constant 0 : index
    %get3A_452 = arith.constant 0 : index
    %get3A_453 = vector.load %arg3[%get3A_449, %get3A_450, %get3A_451, %get3A_452] : memref<1x37x32x512xf32, #tpu.memory_space<vmem>>, vector<1x1x32x512xf32>
    %get3A_454 = vector.shape_cast %get3A_453 : vector<1x1x32x512xf32> to vector<32x512xf32>
    %select_n3A_455 = arith.select %eq3A_448, %get3A_454, %select_n3A_445 : vector<32x512xi1>, vector<32x512xf32>
    %eq3A_456 = arith.constant 7 : i32
    %eq3A_457 = vector.broadcast %eq3A_456 : i32 to vector<32x512xi32>
    %eq3A_458 = arith.cmpi eq, %get3A_389, %eq3A_457 : vector<32x512xi32>
    %get3A_459 = arith.constant 0 : index
    %get3A_460 = arith.constant 7 : index
    %get3A_461 = arith.constant 0 : index
    %get3A_462 = arith.constant 0 : index
    %get3A_463 = vector.load %arg3[%get3A_459, %get3A_460, %get3A_461, %get3A_462] : memref<1x37x32x512xf32, #tpu.memory_space<vmem>>, vector<1x1x32x512xf32>
    %get3A_464 = vector.shape_cast %get3A_463 : vector<1x1x32x512xf32> to vector<32x512xf32>
    %select_n3A_465 = arith.select %eq3A_458, %get3A_464, %select_n3A_455 : vector<32x512xi1>, vector<32x512xf32>
    %eq3A_466 = arith.constant 8 : i32
    %eq3A_467 = vector.broadcast %eq3A_466 : i32 to vector<32x512xi32>
    %eq3A_468 = arith.cmpi eq, %get3A_389, %eq3A_467 : vector<32x512xi32>
    %get3A_469 = arith.constant 0 : index
    %get3A_470 = arith.constant 8 : index
    %get3A_471 = arith.constant 0 : index
    %get3A_472 = arith.constant 0 : index
    %get3A_473 = vector.load %arg3[%get3A_469, %get3A_470, %get3A_471, %get3A_472] : memref<1x37x32x512xf32, #tpu.memory_space<vmem>>, vector<1x1x32x512xf32>
    %get3A_474 = vector.shape_cast %get3A_473 : vector<1x1x32x512xf32> to vector<32x512xf32>
    %select_n3A_475 = arith.select %eq3A_468, %get3A_474, %select_n3A_465 : vector<32x512xi1>, vector<32x512xf32>
    %eq3A_476 = arith.constant 9 : i32
    %eq3A_477 = vector.broadcast %eq3A_476 : i32 to vector<32x512xi32>
    %eq3A_478 = arith.cmpi eq, %get3A_389, %eq3A_477 : vector<32x512xi32>
    %get3A_479 = arith.constant 0 : index
    %get3A_480 = arith.constant 9 : index
    %get3A_481 = arith.constant 0 : index
    %get3A_482 = arith.constant 0 : index
    %get3A_483 = vector.load %arg3[%get3A_479, %get3A_480, %get3A_481, %get3A_482] : memref<1x37x32x512xf32, #tpu.memory_space<vmem>>, vector<1x1x32x512xf32>
    %get3A_484 = vector.shape_cast %get3A_483 : vector<1x1x32x512xf32> to vector<32x512xf32>
    %select_n3A_485 = arith.select %eq3A_478, %get3A_484, %select_n3A_475 : vector<32x512xi1>, vector<32x512xf32>
    %eq3A_486 = arith.constant 10 : i32
    %eq3A_487 = vector.broadcast %eq3A_486 : i32 to vector<32x512xi32>
    %eq3A_488 = arith.cmpi eq, %get3A_389, %eq3A_487 : vector<32x512xi32>
    %get3A_489 = arith.constant 0 : index
    %get3A_490 = arith.constant 10 : index
    %get3A_491 = arith.constant 0 : index
    %get3A_492 = arith.constant 0 : index
    %get3A_493 = vector.load %arg3[%get3A_489, %get3A_490, %get3A_491, %get3A_492] : memref<1x37x32x512xf32, #tpu.memory_space<vmem>>, vector<1x1x32x512xf32>
    %get3A_494 = vector.shape_cast %get3A_493 : vector<1x1x32x512xf32> to vector<32x512xf32>
    %select_n3A_495 = arith.select %eq3A_488, %get3A_494, %select_n3A_485 : vector<32x512xi1>, vector<32x512xf32>
    %eq3A_496 = arith.constant 11 : i32
    %eq3A_497 = vector.broadcast %eq3A_496 : i32 to vector<32x512xi32>
    %eq3A_498 = arith.cmpi eq, %get3A_389, %eq3A_497 : vector<32x512xi32>
    %get3A_499 = arith.constant 0 : index
    %get3A_500 = arith.constant 11 : index
    %get3A_501 = arith.constant 0 : index
    %get3A_502 = arith.constant 0 : index
    %get3A_503 = vector.load %arg3[%get3A_499, %get3A_500, %get3A_501, %get3A_502] : memref<1x37x32x512xf32, #tpu.memory_space<vmem>>, vector<1x1x32x512xf32>
    %get3A_504 = vector.shape_cast %get3A_503 : vector<1x1x32x512xf32> to vector<32x512xf32>
    %select_n3A_505 = arith.select %eq3A_498, %get3A_504, %select_n3A_495 : vector<32x512xi1>, vector<32x512xf32>
    %eq3A_506 = arith.constant 12 : i32
    %eq3A_507 = vector.broadcast %eq3A_506 : i32 to vector<32x512xi32>
    %eq3A_508 = arith.cmpi eq, %get3A_389, %eq3A_507 : vector<32x512xi32>
    %get3A_509 = arith.constant 0 : index
    %get3A_510 = arith.constant 12 : index
    %get3A_511 = arith.constant 0 : index
    %get3A_512 = arith.constant 0 : index
    %get3A_513 = vector.load %arg3[%get3A_509, %get3A_510, %get3A_511, %get3A_512] : memref<1x37x32x512xf32, #tpu.memory_space<vmem>>, vector<1x1x32x512xf32>
    %get3A_514 = vector.shape_cast %get3A_513 : vector<1x1x32x512xf32> to vector<32x512xf32>
    %select_n3A_515 = arith.select %eq3A_508, %get3A_514, %select_n3A_505 : vector<32x512xi1>, vector<32x512xf32>
    %eq3A_516 = arith.constant 13 : i32
    %eq3A_517 = vector.broadcast %eq3A_516 : i32 to vector<32x512xi32>
    %eq3A_518 = arith.cmpi eq, %get3A_389, %eq3A_517 : vector<32x512xi32>
    %get3A_519 = arith.constant 0 : index
    %get3A_520 = arith.constant 13 : index
    %get3A_521 = arith.constant 0 : index
    %get3A_522 = arith.constant 0 : index
    %get3A_523 = vector.load %arg3[%get3A_519, %get3A_520, %get3A_521, %get3A_522] : memref<1x37x32x512xf32, #tpu.memory_space<vmem>>, vector<1x1x32x512xf32>
    %get3A_524 = vector.shape_cast %get3A_523 : vector<1x1x32x512xf32> to vector<32x512xf32>
    %select_n3A_525 = arith.select %eq3A_518, %get3A_524, %select_n3A_515 : vector<32x512xi1>, vector<32x512xf32>
    %eq3A_526 = arith.constant 14 : i32
    %eq3A_527 = vector.broadcast %eq3A_526 : i32 to vector<32x512xi32>
    %eq3A_528 = arith.cmpi eq, %get3A_389, %eq3A_527 : vector<32x512xi32>
    %get3A_529 = arith.constant 0 : index
    %get3A_530 = arith.constant 14 : index
    %get3A_531 = arith.constant 0 : index
    %get3A_532 = arith.constant 0 : index
    %get3A_533 = vector.load %arg3[%get3A_529, %get3A_530, %get3A_531, %get3A_532] : memref<1x37x32x512xf32, #tpu.memory_space<vmem>>, vector<1x1x32x512xf32>
    %get3A_534 = vector.shape_cast %get3A_533 : vector<1x1x32x512xf32> to vector<32x512xf32>
    %select_n3A_535 = arith.select %eq3A_528, %get3A_534, %select_n3A_525 : vector<32x512xi1>, vector<32x512xf32>
    %eq3A_536 = arith.constant 15 : i32
    %eq3A_537 = vector.broadcast %eq3A_536 : i32 to vector<32x512xi32>
    %eq3A_538 = arith.cmpi eq, %get3A_389, %eq3A_537 : vector<32x512xi32>
    %get3A_539 = arith.constant 0 : index
    %get3A_540 = arith.constant 15 : index
    %get3A_541 = arith.constant 0 : index
    %get3A_542 = arith.constant 0 : index
    %get3A_543 = vector.load %arg3[%get3A_539, %get3A_540, %get3A_541, %get3A_542] : memref<1x37x32x512xf32, #tpu.memory_space<vmem>>, vector<1x1x32x512xf32>
    %get3A_544 = vector.shape_cast %get3A_543 : vector<1x1x32x512xf32> to vector<32x512xf32>
    %select_n3A_545 = arith.select %eq3A_538, %get3A_544, %select_n3A_535 : vector<32x512xi1>, vector<32x512xf32>
    %eq3A_546 = arith.constant 16 : i32
    %eq3A_547 = vector.broadcast %eq3A_546 : i32 to vector<32x512xi32>
    %eq3A_548 = arith.cmpi eq, %get3A_389, %eq3A_547 : vector<32x512xi32>
    %get3A_549 = arith.constant 0 : index
    %get3A_550 = arith.constant 16 : index
    %get3A_551 = arith.constant 0 : index
    %get3A_552 = arith.constant 0 : index
    %get3A_553 = vector.load %arg3[%get3A_549, %get3A_550, %get3A_551, %get3A_552] : memref<1x37x32x512xf32, #tpu.memory_space<vmem>>, vector<1x1x32x512xf32>
    %get3A_554 = vector.shape_cast %get3A_553 : vector<1x1x32x512xf32> to vector<32x512xf32>
    %select_n3A_555 = arith.select %eq3A_548, %get3A_554, %select_n3A_545 : vector<32x512xi1>, vector<32x512xf32>
    %eq3A_556 = arith.constant 17 : i32
    %eq3A_557 = vector.broadcast %eq3A_556 : i32 to vector<32x512xi32>
    %eq3A_558 = arith.cmpi eq, %get3A_389, %eq3A_557 : vector<32x512xi32>
    %get3A_559 = arith.constant 0 : index
    %get3A_560 = arith.constant 17 : index
    %get3A_561 = arith.constant 0 : index
    %get3A_562 = arith.constant 0 : index
    %get3A_563 = vector.load %arg3[%get3A_559, %get3A_560, %get3A_561, %get3A_562] : memref<1x37x32x512xf32, #tpu.memory_space<vmem>>, vector<1x1x32x512xf32>
    %get3A_564 = vector.shape_cast %get3A_563 : vector<1x1x32x512xf32> to vector<32x512xf32>
    %select_n3A_565 = arith.select %eq3A_558, %get3A_564, %select_n3A_555 : vector<32x512xi1>, vector<32x512xf32>
    %eq3A_566 = arith.constant 18 : i32
    %eq3A_567 = vector.broadcast %eq3A_566 : i32 to vector<32x512xi32>
    %eq3A_568 = arith.cmpi eq, %get3A_389, %eq3A_567 : vector<32x512xi32>
    %get3A_569 = arith.constant 0 : index
    %get3A_570 = arith.constant 18 : index
    %get3A_571 = arith.constant 0 : index
    %get3A_572 = arith.constant 0 : index
    %get3A_573 = vector.load %arg3[%get3A_569, %get3A_570, %get3A_571, %get3A_572] : memref<1x37x32x512xf32, #tpu.memory_space<vmem>>, vector<1x1x32x512xf32>
    %get3A_574 = vector.shape_cast %get3A_573 : vector<1x1x32x512xf32> to vector<32x512xf32>
    %select_n3A_575 = arith.select %eq3A_568, %get3A_574, %select_n3A_565 : vector<32x512xi1>, vector<32x512xf32>
    %eq3A_576 = arith.constant 19 : i32
    %eq3A_577 = vector.broadcast %eq3A_576 : i32 to vector<32x512xi32>
    %eq3A_578 = arith.cmpi eq, %get3A_389, %eq3A_577 : vector<32x512xi32>
    %get3A_579 = arith.constant 0 : index
    %get3A_580 = arith.constant 19 : index
    %get3A_581 = arith.constant 0 : index
    %get3A_582 = arith.constant 0 : index
    %get3A_583 = vector.load %arg3[%get3A_579, %get3A_580, %get3A_581, %get3A_582] : memref<1x37x32x512xf32, #tpu.memory_space<vmem>>, vector<1x1x32x512xf32>
    %get3A_584 = vector.shape_cast %get3A_583 : vector<1x1x32x512xf32> to vector<32x512xf32>
    %select_n3A_585 = arith.select %eq3A_578, %get3A_584, %select_n3A_575 : vector<32x512xi1>, vector<32x512xf32>
    %eq3A_586 = arith.constant 20 : i32
    %eq3A_587 = vector.broadcast %eq3A_586 : i32 to vector<32x512xi32>
    %eq3A_588 = arith.cmpi eq, %get3A_389, %eq3A_587 : vector<32x512xi32>
    %get3A_589 = arith.constant 0 : index
    %get3A_590 = arith.constant 20 : index
    %get3A_591 = arith.constant 0 : index
    %get3A_592 = arith.constant 0 : index
    %get3A_593 = vector.load %arg3[%get3A_589, %get3A_590, %get3A_591, %get3A_592] : memref<1x37x32x512xf32, #tpu.memory_space<vmem>>, vector<1x1x32x512xf32>
    %get3A_594 = vector.shape_cast %get3A_593 : vector<1x1x32x512xf32> to vector<32x512xf32>
    %select_n3A_595 = arith.select %eq3A_588, %get3A_594, %select_n3A_585 : vector<32x512xi1>, vector<32x512xf32>
    %eq3A_596 = arith.constant 21 : i32
    %eq3A_597 = vector.broadcast %eq3A_596 : i32 to vector<32x512xi32>
    %eq3A_598 = arith.cmpi eq, %get3A_389, %eq3A_597 : vector<32x512xi32>
    %get3A_599 = arith.constant 0 : index
    %get3A_600 = arith.constant 21 : index
    %get3A_601 = arith.constant 0 : index
    %get3A_602 = arith.constant 0 : index
    %get3A_603 = vector.load %arg3[%get3A_599, %get3A_600, %get3A_601, %get3A_602] : memref<1x37x32x512xf32, #tpu.memory_space<vmem>>, vector<1x1x32x512xf32>
    %get3A_604 = vector.shape_cast %get3A_603 : vector<1x1x32x512xf32> to vector<32x512xf32>
    %select_n3A_605 = arith.select %eq3A_598, %get3A_604, %select_n3A_595 : vector<32x512xi1>, vector<32x512xf32>
    %eq3A_606 = arith.constant 22 : i32
    %eq3A_607 = vector.broadcast %eq3A_606 : i32 to vector<32x512xi32>
    %eq3A_608 = arith.cmpi eq, %get3A_389, %eq3A_607 : vector<32x512xi32>
    %get3A_609 = arith.constant 0 : index
    %get3A_610 = arith.constant 22 : index
    %get3A_611 = arith.constant 0 : index
    %get3A_612 = arith.constant 0 : index
    %get3A_613 = vector.load %arg3[%get3A_609, %get3A_610, %get3A_611, %get3A_612] : memref<1x37x32x512xf32, #tpu.memory_space<vmem>>, vector<1x1x32x512xf32>
    %get3A_614 = vector.shape_cast %get3A_613 : vector<1x1x32x512xf32> to vector<32x512xf32>
    %select_n3A_615 = arith.select %eq3A_608, %get3A_614, %select_n3A_605 : vector<32x512xi1>, vector<32x512xf32>
    %eq3A_616 = arith.constant 23 : i32
    %eq3A_617 = vector.broadcast %eq3A_616 : i32 to vector<32x512xi32>
    %eq3A_618 = arith.cmpi eq, %get3A_389, %eq3A_617 : vector<32x512xi32>
    %get3A_619 = arith.constant 0 : index
    %get3A_620 = arith.constant 23 : index
    %get3A_621 = arith.constant 0 : index
    %get3A_622 = arith.constant 0 : index
    %get3A_623 = vector.load %arg3[%get3A_619, %get3A_620, %get3A_621, %get3A_622] : memref<1x37x32x512xf32, #tpu.memory_space<vmem>>, vector<1x1x32x512xf32>
    %get3A_624 = vector.shape_cast %get3A_623 : vector<1x1x32x512xf32> to vector<32x512xf32>
    %select_n3A_625 = arith.select %eq3A_618, %get3A_624, %select_n3A_615 : vector<32x512xi1>, vector<32x512xf32>
    %eq3A_626 = arith.constant 24 : i32
    %eq3A_627 = vector.broadcast %eq3A_626 : i32 to vector<32x512xi32>
    %eq3A_628 = arith.cmpi eq, %get3A_389, %eq3A_627 : vector<32x512xi32>
    %get3A_629 = arith.constant 0 : index
    %get3A_630 = arith.constant 24 : index
    %get3A_631 = arith.constant 0 : index
    %get3A_632 = arith.constant 0 : index
    %get3A_633 = vector.load %arg3[%get3A_629, %get3A_630, %get3A_631, %get3A_632] : memref<1x37x32x512xf32, #tpu.memory_space<vmem>>, vector<1x1x32x512xf32>
    %get3A_634 = vector.shape_cast %get3A_633 : vector<1x1x32x512xf32> to vector<32x512xf32>
    %select_n3A_635 = arith.select %eq3A_628, %get3A_634, %select_n3A_625 : vector<32x512xi1>, vector<32x512xf32>
    %eq3A_636 = arith.constant 25 : i32
    %eq3A_637 = vector.broadcast %eq3A_636 : i32 to vector<32x512xi32>
    %eq3A_638 = arith.cmpi eq, %get3A_389, %eq3A_637 : vector<32x512xi32>
    %get3A_639 = arith.constant 0 : index
    %get3A_640 = arith.constant 25 : index
    %get3A_641 = arith.constant 0 : index
    %get3A_642 = arith.constant 0 : index
    %get3A_643 = vector.load %arg3[%get3A_639, %get3A_640, %get3A_641, %get3A_642] : memref<1x37x32x512xf32, #tpu.memory_space<vmem>>, vector<1x1x32x512xf32>
    %get3A_644 = vector.shape_cast %get3A_643 : vector<1x1x32x512xf32> to vector<32x512xf32>
    %select_n3A_645 = arith.select %eq3A_638, %get3A_644, %select_n3A_635 : vector<32x512xi1>, vector<32x512xf32>
    %eq3A_646 = arith.constant 26 : i32
    %eq3A_647 = vector.broadcast %eq3A_646 : i32 to vector<32x512xi32>
    %eq3A_648 = arith.cmpi eq, %get3A_389, %eq3A_647 : vector<32x512xi32>
    %get3A_649 = arith.constant 0 : index
    %get3A_650 = arith.constant 26 : index
    %get3A_651 = arith.constant 0 : index
    %get3A_652 = arith.constant 0 : index
    %get3A_653 = vector.load %arg3[%get3A_649, %get3A_650, %get3A_651, %get3A_652] : memref<1x37x32x512xf32, #tpu.memory_space<vmem>>, vector<1x1x32x512xf32>
    %get3A_654 = vector.shape_cast %get3A_653 : vector<1x1x32x512xf32> to vector<32x512xf32>
    %select_n3A_655 = arith.select %eq3A_648, %get3A_654, %select_n3A_645 : vector<32x512xi1>, vector<32x512xf32>
    %eq3A_656 = arith.constant 27 : i32
    %eq3A_657 = vector.broadcast %eq3A_656 : i32 to vector<32x512xi32>
    %eq3A_658 = arith.cmpi eq, %get3A_389, %eq3A_657 : vector<32x512xi32>
    %get3A_659 = arith.constant 0 : index
    %get3A_660 = arith.constant 27 : index
    %get3A_661 = arith.constant 0 : index
    %get3A_662 = arith.constant 0 : index
    %get3A_663 = vector.load %arg3[%get3A_659, %get3A_660, %get3A_661, %get3A_662] : memref<1x37x32x512xf32, #tpu.memory_space<vmem>>, vector<1x1x32x512xf32>
    %get3A_664 = vector.shape_cast %get3A_663 : vector<1x1x32x512xf32> to vector<32x512xf32>
    %select_n3A_665 = arith.select %eq3A_658, %get3A_664, %select_n3A_655 : vector<32x512xi1>, vector<32x512xf32>
    %eq3A_666 = arith.constant 28 : i32
    %eq3A_667 = vector.broadcast %eq3A_666 : i32 to vector<32x512xi32>
    %eq3A_668 = arith.cmpi eq, %get3A_389, %eq3A_667 : vector<32x512xi32>
    %get3A_669 = arith.constant 0 : index
    %get3A_670 = arith.constant 28 : index
    %get3A_671 = arith.constant 0 : index
    %get3A_672 = arith.constant 0 : index
    %get3A_673 = vector.load %arg3[%get3A_669, %get3A_670, %get3A_671, %get3A_672] : memref<1x37x32x512xf32, #tpu.memory_space<vmem>>, vector<1x1x32x512xf32>
    %get3A_674 = vector.shape_cast %get3A_673 : vector<1x1x32x512xf32> to vector<32x512xf32>
    %select_n3A_675 = arith.select %eq3A_668, %get3A_674, %select_n3A_665 : vector<32x512xi1>, vector<32x512xf32>
    %eq3A_676 = arith.constant 29 : i32
    %eq3A_677 = vector.broadcast %eq3A_676 : i32 to vector<32x512xi32>
    %eq3A_678 = arith.cmpi eq, %get3A_389, %eq3A_677 : vector<32x512xi32>
    %get3A_679 = arith.constant 0 : index
    %get3A_680 = arith.constant 29 : index
    %get3A_681 = arith.constant 0 : index
    %get3A_682 = arith.constant 0 : index
    %get3A_683 = vector.load %arg3[%get3A_679, %get3A_680, %get3A_681, %get3A_682] : memref<1x37x32x512xf32, #tpu.memory_space<vmem>>, vector<1x1x32x512xf32>
    %get3A_684 = vector.shape_cast %get3A_683 : vector<1x1x32x512xf32> to vector<32x512xf32>
    %select_n3A_685 = arith.select %eq3A_678, %get3A_684, %select_n3A_675 : vector<32x512xi1>, vector<32x512xf32>
    %eq3A_686 = arith.constant 30 : i32
    %eq3A_687 = vector.broadcast %eq3A_686 : i32 to vector<32x512xi32>
    %eq3A_688 = arith.cmpi eq, %get3A_389, %eq3A_687 : vector<32x512xi32>
    %get3A_689 = arith.constant 0 : index
    %get3A_690 = arith.constant 30 : index
    %get3A_691 = arith.constant 0 : index
    %get3A_692 = arith.constant 0 : index
    %get3A_693 = vector.load %arg3[%get3A_689, %get3A_690, %get3A_691, %get3A_692] : memref<1x37x32x512xf32, #tpu.memory_space<vmem>>, vector<1x1x32x512xf32>
    %get3A_694 = vector.shape_cast %get3A_693 : vector<1x1x32x512xf32> to vector<32x512xf32>
    %select_n3A_695 = arith.select %eq3A_688, %get3A_694, %select_n3A_685 : vector<32x512xi1>, vector<32x512xf32>
    %eq3A_696 = arith.constant 31 : i32
    %eq3A_697 = vector.broadcast %eq3A_696 : i32 to vector<32x512xi32>
    %eq3A_698 = arith.cmpi eq, %get3A_389, %eq3A_697 : vector<32x512xi32>
    %get3A_699 = arith.constant 0 : index
    %get3A_700 = arith.constant 31 : index
    %get3A_701 = arith.constant 0 : index
    %get3A_702 = arith.constant 0 : index
    %get3A_703 = vector.load %arg3[%get3A_699, %get3A_700, %get3A_701, %get3A_702] : memref<1x37x32x512xf32, #tpu.memory_space<vmem>>, vector<1x1x32x512xf32>
    %get3A_704 = vector.shape_cast %get3A_703 : vector<1x1x32x512xf32> to vector<32x512xf32>
    %select_n3A_705 = arith.select %eq3A_698, %get3A_704, %select_n3A_695 : vector<32x512xi1>, vector<32x512xf32>
    %eq3A_706 = arith.constant 32 : i32
    %eq3A_707 = vector.broadcast %eq3A_706 : i32 to vector<32x512xi32>
    %eq3A_708 = arith.cmpi eq, %get3A_389, %eq3A_707 : vector<32x512xi32>
    %get3A_709 = arith.constant 0 : index
    %get3A_710 = arith.constant 32 : index
    %get3A_711 = arith.constant 0 : index
    %get3A_712 = arith.constant 0 : index
    %get3A_713 = vector.load %arg3[%get3A_709, %get3A_710, %get3A_711, %get3A_712] : memref<1x37x32x512xf32, #tpu.memory_space<vmem>>, vector<1x1x32x512xf32>
    %get3A_714 = vector.shape_cast %get3A_713 : vector<1x1x32x512xf32> to vector<32x512xf32>
    %select_n3A_715 = arith.select %eq3A_708, %get3A_714, %select_n3A_705 : vector<32x512xi1>, vector<32x512xf32>
    %eq3A_716 = arith.constant 33 : i32
    %eq3A_717 = vector.broadcast %eq3A_716 : i32 to vector<32x512xi32>
    %eq3A_718 = arith.cmpi eq, %get3A_389, %eq3A_717 : vector<32x512xi32>
    %get3A_719 = arith.constant 0 : index
    %get3A_720 = arith.constant 33 : index
    %get3A_721 = arith.constant 0 : index
    %get3A_722 = arith.constant 0 : index
    %get3A_723 = vector.load %arg3[%get3A_719, %get3A_720, %get3A_721, %get3A_722] : memref<1x37x32x512xf32, #tpu.memory_space<vmem>>, vector<1x1x32x512xf32>
    %get3A_724 = vector.shape_cast %get3A_723 : vector<1x1x32x512xf32> to vector<32x512xf32>
    %select_n3A_725 = arith.select %eq3A_718, %get3A_724, %select_n3A_715 : vector<32x512xi1>, vector<32x512xf32>
    %eq3A_726 = arith.constant 34 : i32
    %eq3A_727 = vector.broadcast %eq3A_726 : i32 to vector<32x512xi32>
    %eq3A_728 = arith.cmpi eq, %get3A_389, %eq3A_727 : vector<32x512xi32>
    %get3A_729 = arith.constant 0 : index
    %get3A_730 = arith.constant 34 : index
    %get3A_731 = arith.constant 0 : index
    %get3A_732 = arith.constant 0 : index
    %get3A_733 = vector.load %arg3[%get3A_729, %get3A_730, %get3A_731, %get3A_732] : memref<1x37x32x512xf32, #tpu.memory_space<vmem>>, vector<1x1x32x512xf32>
    %get3A_734 = vector.shape_cast %get3A_733 : vector<1x1x32x512xf32> to vector<32x512xf32>
    %select_n3A_735 = arith.select %eq3A_728, %get3A_734, %select_n3A_725 : vector<32x512xi1>, vector<32x512xf32>
    %eq3A_736 = arith.constant 35 : i32
    %eq3A_737 = vector.broadcast %eq3A_736 : i32 to vector<32x512xi32>
    %eq3A_738 = arith.cmpi eq, %get3A_389, %eq3A_737 : vector<32x512xi32>
    %get3A_739 = arith.constant 0 : index
    %get3A_740 = arith.constant 35 : index
    %get3A_741 = arith.constant 0 : index
    %get3A_742 = arith.constant 0 : index
    %get3A_743 = vector.load %arg3[%get3A_739, %get3A_740, %get3A_741, %get3A_742] : memref<1x37x32x512xf32, #tpu.memory_space<vmem>>, vector<1x1x32x512xf32>
    %get3A_744 = vector.shape_cast %get3A_743 : vector<1x1x32x512xf32> to vector<32x512xf32>
    %select_n3A_745 = arith.select %eq3A_738, %get3A_744, %select_n3A_735 : vector<32x512xi1>, vector<32x512xf32>
    %eq3A_746 = arith.constant 36 : i32
    %eq3A_747 = vector.broadcast %eq3A_746 : i32 to vector<32x512xi32>
    %eq3A_748 = arith.cmpi eq, %get3A_389, %eq3A_747 : vector<32x512xi32>
    %get3A_749 = arith.constant 0 : index
    %get3A_750 = arith.constant 36 : index
    %get3A_751 = arith.constant 0 : index
    %get3A_752 = arith.constant 0 : index
    %get3A_753 = vector.load %arg3[%get3A_749, %get3A_750, %get3A_751, %get3A_752] : memref<1x37x32x512xf32, #tpu.memory_space<vmem>>, vector<1x1x32x512xf32>
    %get3A_754 = vector.shape_cast %get3A_753 : vector<1x1x32x512xf32> to vector<32x512xf32>
    %select_n3A_755 = arith.select %eq3A_748, %get3A_754, %select_n3A_745 : vector<32x512xi1>, vector<32x512xf32>
    %log3A_756 = math.log %select_n3A_755 : vector<32x512xf32>
    %add3A_757 = arith.addf %add3A_384, %log3A_756 : vector<32x512xf32>
    %get3A_758 = arith.constant 0 : index
    %get3A_759 = arith.constant 0 : index
    %get3A_760 = arith.constant 0 : index
    %get3A_761 = vector.load %arg9[%get3A_758, %get3A_759, %get3A_760] : memref<1x32x512xi32, #tpu.memory_space<vmem>>, vector<1x32x512xi32>
    %get3A_762 = vector.shape_cast %get3A_761 : vector<1x32x512xi32> to vector<32x512xi32>
    %get3A_763 = arith.constant 0 : index
    %get3A_764 = arith.constant 0 : index
    %get3A_765 = arith.constant 0 : index
    %get3A_766 = arith.constant 0 : index
    %get3A_767 = vector.load %arg4[%get3A_763, %get3A_764, %get3A_765, %get3A_766] : memref<1x25x32x512xf32, #tpu.memory_space<vmem>>, vector<1x1x32x512xf32>
    %get3A_768 = vector.shape_cast %get3A_767 : vector<1x1x32x512xf32> to vector<32x512xf32>
    %eq3A_769 = arith.constant 1 : i32
    %eq3A_770 = vector.broadcast %eq3A_769 : i32 to vector<32x512xi32>
    %eq3A_771 = arith.cmpi eq, %get3A_762, %eq3A_770 : vector<32x512xi32>
    %get3A_772 = arith.constant 0 : index
    %get3A_773 = arith.constant 1 : index
    %get3A_774 = arith.constant 0 : index
    %get3A_775 = arith.constant 0 : index
    %get3A_776 = vector.load %arg4[%get3A_772, %get3A_773, %get3A_774, %get3A_775] : memref<1x25x32x512xf32, #tpu.memory_space<vmem>>, vector<1x1x32x512xf32>
    %get3A_777 = vector.shape_cast %get3A_776 : vector<1x1x32x512xf32> to vector<32x512xf32>
    %select_n3A_778 = arith.select %eq3A_771, %get3A_777, %get3A_768 : vector<32x512xi1>, vector<32x512xf32>
    %eq3A_779 = arith.constant 2 : i32
    %eq3A_780 = vector.broadcast %eq3A_779 : i32 to vector<32x512xi32>
    %eq3A_781 = arith.cmpi eq, %get3A_762, %eq3A_780 : vector<32x512xi32>
    %get3A_782 = arith.constant 0 : index
    %get3A_783 = arith.constant 2 : index
    %get3A_784 = arith.constant 0 : index
    %get3A_785 = arith.constant 0 : index
    %get3A_786 = vector.load %arg4[%get3A_782, %get3A_783, %get3A_784, %get3A_785] : memref<1x25x32x512xf32, #tpu.memory_space<vmem>>, vector<1x1x32x512xf32>
    %get3A_787 = vector.shape_cast %get3A_786 : vector<1x1x32x512xf32> to vector<32x512xf32>
    %select_n3A_788 = arith.select %eq3A_781, %get3A_787, %select_n3A_778 : vector<32x512xi1>, vector<32x512xf32>
    %eq3A_789 = arith.constant 3 : i32
    %eq3A_790 = vector.broadcast %eq3A_789 : i32 to vector<32x512xi32>
    %eq3A_791 = arith.cmpi eq, %get3A_762, %eq3A_790 : vector<32x512xi32>
    %get3A_792 = arith.constant 0 : index
    %get3A_793 = arith.constant 3 : index
    %get3A_794 = arith.constant 0 : index
    %get3A_795 = arith.constant 0 : index
    %get3A_796 = vector.load %arg4[%get3A_792, %get3A_793, %get3A_794, %get3A_795] : memref<1x25x32x512xf32, #tpu.memory_space<vmem>>, vector<1x1x32x512xf32>
    %get3A_797 = vector.shape_cast %get3A_796 : vector<1x1x32x512xf32> to vector<32x512xf32>
    %select_n3A_798 = arith.select %eq3A_791, %get3A_797, %select_n3A_788 : vector<32x512xi1>, vector<32x512xf32>
    %eq3A_799 = arith.constant 4 : i32
    %eq3A_800 = vector.broadcast %eq3A_799 : i32 to vector<32x512xi32>
    %eq3A_801 = arith.cmpi eq, %get3A_762, %eq3A_800 : vector<32x512xi32>
    %get3A_802 = arith.constant 0 : index
    %get3A_803 = arith.constant 4 : index
    %get3A_804 = arith.constant 0 : index
    %get3A_805 = arith.constant 0 : index
    %get3A_806 = vector.load %arg4[%get3A_802, %get3A_803, %get3A_804, %get3A_805] : memref<1x25x32x512xf32, #tpu.memory_space<vmem>>, vector<1x1x32x512xf32>
    %get3A_807 = vector.shape_cast %get3A_806 : vector<1x1x32x512xf32> to vector<32x512xf32>
    %select_n3A_808 = arith.select %eq3A_801, %get3A_807, %select_n3A_798 : vector<32x512xi1>, vector<32x512xf32>
    %eq3A_809 = arith.constant 5 : i32
    %eq3A_810 = vector.broadcast %eq3A_809 : i32 to vector<32x512xi32>
    %eq3A_811 = arith.cmpi eq, %get3A_762, %eq3A_810 : vector<32x512xi32>
    %get3A_812 = arith.constant 0 : index
    %get3A_813 = arith.constant 5 : index
    %get3A_814 = arith.constant 0 : index
    %get3A_815 = arith.constant 0 : index
    %get3A_816 = vector.load %arg4[%get3A_812, %get3A_813, %get3A_814, %get3A_815] : memref<1x25x32x512xf32, #tpu.memory_space<vmem>>, vector<1x1x32x512xf32>
    %get3A_817 = vector.shape_cast %get3A_816 : vector<1x1x32x512xf32> to vector<32x512xf32>
    %select_n3A_818 = arith.select %eq3A_811, %get3A_817, %select_n3A_808 : vector<32x512xi1>, vector<32x512xf32>
    %eq3A_819 = arith.constant 6 : i32
    %eq3A_820 = vector.broadcast %eq3A_819 : i32 to vector<32x512xi32>
    %eq3A_821 = arith.cmpi eq, %get3A_762, %eq3A_820 : vector<32x512xi32>
    %get3A_822 = arith.constant 0 : index
    %get3A_823 = arith.constant 6 : index
    %get3A_824 = arith.constant 0 : index
    %get3A_825 = arith.constant 0 : index
    %get3A_826 = vector.load %arg4[%get3A_822, %get3A_823, %get3A_824, %get3A_825] : memref<1x25x32x512xf32, #tpu.memory_space<vmem>>, vector<1x1x32x512xf32>
    %get3A_827 = vector.shape_cast %get3A_826 : vector<1x1x32x512xf32> to vector<32x512xf32>
    %select_n3A_828 = arith.select %eq3A_821, %get3A_827, %select_n3A_818 : vector<32x512xi1>, vector<32x512xf32>
    %eq3A_829 = arith.constant 7 : i32
    %eq3A_830 = vector.broadcast %eq3A_829 : i32 to vector<32x512xi32>
    %eq3A_831 = arith.cmpi eq, %get3A_762, %eq3A_830 : vector<32x512xi32>
    %get3A_832 = arith.constant 0 : index
    %get3A_833 = arith.constant 7 : index
    %get3A_834 = arith.constant 0 : index
    %get3A_835 = arith.constant 0 : index
    %get3A_836 = vector.load %arg4[%get3A_832, %get3A_833, %get3A_834, %get3A_835] : memref<1x25x32x512xf32, #tpu.memory_space<vmem>>, vector<1x1x32x512xf32>
    %get3A_837 = vector.shape_cast %get3A_836 : vector<1x1x32x512xf32> to vector<32x512xf32>
    %select_n3A_838 = arith.select %eq3A_831, %get3A_837, %select_n3A_828 : vector<32x512xi1>, vector<32x512xf32>
    %eq3A_839 = arith.constant 8 : i32
    %eq3A_840 = vector.broadcast %eq3A_839 : i32 to vector<32x512xi32>
    %eq3A_841 = arith.cmpi eq, %get3A_762, %eq3A_840 : vector<32x512xi32>
    %get3A_842 = arith.constant 0 : index
    %get3A_843 = arith.constant 8 : index
    %get3A_844 = arith.constant 0 : index
    %get3A_845 = arith.constant 0 : index
    %get3A_846 = vector.load %arg4[%get3A_842, %get3A_843, %get3A_844, %get3A_845] : memref<1x25x32x512xf32, #tpu.memory_space<vmem>>, vector<1x1x32x512xf32>
    %get3A_847 = vector.shape_cast %get3A_846 : vector<1x1x32x512xf32> to vector<32x512xf32>
    %select_n3A_848 = arith.select %eq3A_841, %get3A_847, %select_n3A_838 : vector<32x512xi1>, vector<32x512xf32>
    %eq3A_849 = arith.constant 9 : i32
    %eq3A_850 = vector.broadcast %eq3A_849 : i32 to vector<32x512xi32>
    %eq3A_851 = arith.cmpi eq, %get3A_762, %eq3A_850 : vector<32x512xi32>
    %get3A_852 = arith.constant 0 : index
    %get3A_853 = arith.constant 9 : index
    %get3A_854 = arith.constant 0 : index
    %get3A_855 = arith.constant 0 : index
    %get3A_856 = vector.load %arg4[%get3A_852, %get3A_853, %get3A_854, %get3A_855] : memref<1x25x32x512xf32, #tpu.memory_space<vmem>>, vector<1x1x32x512xf32>
    %get3A_857 = vector.shape_cast %get3A_856 : vector<1x1x32x512xf32> to vector<32x512xf32>
    %select_n3A_858 = arith.select %eq3A_851, %get3A_857, %select_n3A_848 : vector<32x512xi1>, vector<32x512xf32>
    %eq3A_859 = arith.constant 10 : i32
    %eq3A_860 = vector.broadcast %eq3A_859 : i32 to vector<32x512xi32>
    %eq3A_861 = arith.cmpi eq, %get3A_762, %eq3A_860 : vector<32x512xi32>
    %get3A_862 = arith.constant 0 : index
    %get3A_863 = arith.constant 10 : index
    %get3A_864 = arith.constant 0 : index
    %get3A_865 = arith.constant 0 : index
    %get3A_866 = vector.load %arg4[%get3A_862, %get3A_863, %get3A_864, %get3A_865] : memref<1x25x32x512xf32, #tpu.memory_space<vmem>>, vector<1x1x32x512xf32>
    %get3A_867 = vector.shape_cast %get3A_866 : vector<1x1x32x512xf32> to vector<32x512xf32>
    %select_n3A_868 = arith.select %eq3A_861, %get3A_867, %select_n3A_858 : vector<32x512xi1>, vector<32x512xf32>
    %eq3A_869 = arith.constant 11 : i32
    %eq3A_870 = vector.broadcast %eq3A_869 : i32 to vector<32x512xi32>
    %eq3A_871 = arith.cmpi eq, %get3A_762, %eq3A_870 : vector<32x512xi32>
    %get3A_872 = arith.constant 0 : index
    %get3A_873 = arith.constant 11 : index
    %get3A_874 = arith.constant 0 : index
    %get3A_875 = arith.constant 0 : index
    %get3A_876 = vector.load %arg4[%get3A_872, %get3A_873, %get3A_874, %get3A_875] : memref<1x25x32x512xf32, #tpu.memory_space<vmem>>, vector<1x1x32x512xf32>
    %get3A_877 = vector.shape_cast %get3A_876 : vector<1x1x32x512xf32> to vector<32x512xf32>
    %select_n3A_878 = arith.select %eq3A_871, %get3A_877, %select_n3A_868 : vector<32x512xi1>, vector<32x512xf32>
    %eq3A_879 = arith.constant 12 : i32
    %eq3A_880 = vector.broadcast %eq3A_879 : i32 to vector<32x512xi32>
    %eq3A_881 = arith.cmpi eq, %get3A_762, %eq3A_880 : vector<32x512xi32>
    %get3A_882 = arith.constant 0 : index
    %get3A_883 = arith.constant 12 : index
    %get3A_884 = arith.constant 0 : index
    %get3A_885 = arith.constant 0 : index
    %get3A_886 = vector.load %arg4[%get3A_882, %get3A_883, %get3A_884, %get3A_885] : memref<1x25x32x512xf32, #tpu.memory_space<vmem>>, vector<1x1x32x512xf32>
    %get3A_887 = vector.shape_cast %get3A_886 : vector<1x1x32x512xf32> to vector<32x512xf32>
    %select_n3A_888 = arith.select %eq3A_881, %get3A_887, %select_n3A_878 : vector<32x512xi1>, vector<32x512xf32>
    %eq3A_889 = arith.constant 13 : i32
    %eq3A_890 = vector.broadcast %eq3A_889 : i32 to vector<32x512xi32>
    %eq3A_891 = arith.cmpi eq, %get3A_762, %eq3A_890 : vector<32x512xi32>
    %get3A_892 = arith.constant 0 : index
    %get3A_893 = arith.constant 13 : index
    %get3A_894 = arith.constant 0 : index
    %get3A_895 = arith.constant 0 : index
    %get3A_896 = vector.load %arg4[%get3A_892, %get3A_893, %get3A_894, %get3A_895] : memref<1x25x32x512xf32, #tpu.memory_space<vmem>>, vector<1x1x32x512xf32>
    %get3A_897 = vector.shape_cast %get3A_896 : vector<1x1x32x512xf32> to vector<32x512xf32>
    %select_n3A_898 = arith.select %eq3A_891, %get3A_897, %select_n3A_888 : vector<32x512xi1>, vector<32x512xf32>
    %eq3A_899 = arith.constant 14 : i32
    %eq3A_900 = vector.broadcast %eq3A_899 : i32 to vector<32x512xi32>
    %eq3A_901 = arith.cmpi eq, %get3A_762, %eq3A_900 : vector<32x512xi32>
    %get3A_902 = arith.constant 0 : index
    %get3A_903 = arith.constant 14 : index
    %get3A_904 = arith.constant 0 : index
    %get3A_905 = arith.constant 0 : index
    %get3A_906 = vector.load %arg4[%get3A_902, %get3A_903, %get3A_904, %get3A_905] : memref<1x25x32x512xf32, #tpu.memory_space<vmem>>, vector<1x1x32x512xf32>
    %get3A_907 = vector.shape_cast %get3A_906 : vector<1x1x32x512xf32> to vector<32x512xf32>
    %select_n3A_908 = arith.select %eq3A_901, %get3A_907, %select_n3A_898 : vector<32x512xi1>, vector<32x512xf32>
    %eq3A_909 = arith.constant 15 : i32
    %eq3A_910 = vector.broadcast %eq3A_909 : i32 to vector<32x512xi32>
    %eq3A_911 = arith.cmpi eq, %get3A_762, %eq3A_910 : vector<32x512xi32>
    %get3A_912 = arith.constant 0 : index
    %get3A_913 = arith.constant 15 : index
    %get3A_914 = arith.constant 0 : index
    %get3A_915 = arith.constant 0 : index
    %get3A_916 = vector.load %arg4[%get3A_912, %get3A_913, %get3A_914, %get3A_915] : memref<1x25x32x512xf32, #tpu.memory_space<vmem>>, vector<1x1x32x512xf32>
    %get3A_917 = vector.shape_cast %get3A_916 : vector<1x1x32x512xf32> to vector<32x512xf32>
    %select_n3A_918 = arith.select %eq3A_911, %get3A_917, %select_n3A_908 : vector<32x512xi1>, vector<32x512xf32>
    %eq3A_919 = arith.constant 16 : i32
    %eq3A_920 = vector.broadcast %eq3A_919 : i32 to vector<32x512xi32>
    %eq3A_921 = arith.cmpi eq, %get3A_762, %eq3A_920 : vector<32x512xi32>
    %get3A_922 = arith.constant 0 : index
    %get3A_923 = arith.constant 16 : index
    %get3A_924 = arith.constant 0 : index
    %get3A_925 = arith.constant 0 : index
    %get3A_926 = vector.load %arg4[%get3A_922, %get3A_923, %get3A_924, %get3A_925] : memref<1x25x32x512xf32, #tpu.memory_space<vmem>>, vector<1x1x32x512xf32>
    %get3A_927 = vector.shape_cast %get3A_926 : vector<1x1x32x512xf32> to vector<32x512xf32>
    %select_n3A_928 = arith.select %eq3A_921, %get3A_927, %select_n3A_918 : vector<32x512xi1>, vector<32x512xf32>
    %eq3A_929 = arith.constant 17 : i32
    %eq3A_930 = vector.broadcast %eq3A_929 : i32 to vector<32x512xi32>
    %eq3A_931 = arith.cmpi eq, %get3A_762, %eq3A_930 : vector<32x512xi32>
    %get3A_932 = arith.constant 0 : index
    %get3A_933 = arith.constant 17 : index
    %get3A_934 = arith.constant 0 : index
    %get3A_935 = arith.constant 0 : index
    %get3A_936 = vector.load %arg4[%get3A_932, %get3A_933, %get3A_934, %get3A_935] : memref<1x25x32x512xf32, #tpu.memory_space<vmem>>, vector<1x1x32x512xf32>
    %get3A_937 = vector.shape_cast %get3A_936 : vector<1x1x32x512xf32> to vector<32x512xf32>
    %select_n3A_938 = arith.select %eq3A_931, %get3A_937, %select_n3A_928 : vector<32x512xi1>, vector<32x512xf32>
    %eq3A_939 = arith.constant 18 : i32
    %eq3A_940 = vector.broadcast %eq3A_939 : i32 to vector<32x512xi32>
    %eq3A_941 = arith.cmpi eq, %get3A_762, %eq3A_940 : vector<32x512xi32>
    %get3A_942 = arith.constant 0 : index
    %get3A_943 = arith.constant 18 : index
    %get3A_944 = arith.constant 0 : index
    %get3A_945 = arith.constant 0 : index
    %get3A_946 = vector.load %arg4[%get3A_942, %get3A_943, %get3A_944, %get3A_945] : memref<1x25x32x512xf32, #tpu.memory_space<vmem>>, vector<1x1x32x512xf32>
    %get3A_947 = vector.shape_cast %get3A_946 : vector<1x1x32x512xf32> to vector<32x512xf32>
    %select_n3A_948 = arith.select %eq3A_941, %get3A_947, %select_n3A_938 : vector<32x512xi1>, vector<32x512xf32>
    %eq3A_949 = arith.constant 19 : i32
    %eq3A_950 = vector.broadcast %eq3A_949 : i32 to vector<32x512xi32>
    %eq3A_951 = arith.cmpi eq, %get3A_762, %eq3A_950 : vector<32x512xi32>
    %get3A_952 = arith.constant 0 : index
    %get3A_953 = arith.constant 19 : index
    %get3A_954 = arith.constant 0 : index
    %get3A_955 = arith.constant 0 : index
    %get3A_956 = vector.load %arg4[%get3A_952, %get3A_953, %get3A_954, %get3A_955] : memref<1x25x32x512xf32, #tpu.memory_space<vmem>>, vector<1x1x32x512xf32>
    %get3A_957 = vector.shape_cast %get3A_956 : vector<1x1x32x512xf32> to vector<32x512xf32>
    %select_n3A_958 = arith.select %eq3A_951, %get3A_957, %select_n3A_948 : vector<32x512xi1>, vector<32x512xf32>
    %eq3A_959 = arith.constant 20 : i32
    %eq3A_960 = vector.broadcast %eq3A_959 : i32 to vector<32x512xi32>
    %eq3A_961 = arith.cmpi eq, %get3A_762, %eq3A_960 : vector<32x512xi32>
    %get3A_962 = arith.constant 0 : index
    %get3A_963 = arith.constant 20 : index
    %get3A_964 = arith.constant 0 : index
    %get3A_965 = arith.constant 0 : index
    %get3A_966 = vector.load %arg4[%get3A_962, %get3A_963, %get3A_964, %get3A_965] : memref<1x25x32x512xf32, #tpu.memory_space<vmem>>, vector<1x1x32x512xf32>
    %get3A_967 = vector.shape_cast %get3A_966 : vector<1x1x32x512xf32> to vector<32x512xf32>
    %select_n3A_968 = arith.select %eq3A_961, %get3A_967, %select_n3A_958 : vector<32x512xi1>, vector<32x512xf32>
    %eq3A_969 = arith.constant 21 : i32
    %eq3A_970 = vector.broadcast %eq3A_969 : i32 to vector<32x512xi32>
    %eq3A_971 = arith.cmpi eq, %get3A_762, %eq3A_970 : vector<32x512xi32>
    %get3A_972 = arith.constant 0 : index
    %get3A_973 = arith.constant 21 : index
    %get3A_974 = arith.constant 0 : index
    %get3A_975 = arith.constant 0 : index
    %get3A_976 = vector.load %arg4[%get3A_972, %get3A_973, %get3A_974, %get3A_975] : memref<1x25x32x512xf32, #tpu.memory_space<vmem>>, vector<1x1x32x512xf32>
    %get3A_977 = vector.shape_cast %get3A_976 : vector<1x1x32x512xf32> to vector<32x512xf32>
    %select_n3A_978 = arith.select %eq3A_971, %get3A_977, %select_n3A_968 : vector<32x512xi1>, vector<32x512xf32>
    %eq3A_979 = arith.constant 22 : i32
    %eq3A_980 = vector.broadcast %eq3A_979 : i32 to vector<32x512xi32>
    %eq3A_981 = arith.cmpi eq, %get3A_762, %eq3A_980 : vector<32x512xi32>
    %get3A_982 = arith.constant 0 : index
    %get3A_983 = arith.constant 22 : index
    %get3A_984 = arith.constant 0 : index
    %get3A_985 = arith.constant 0 : index
    %get3A_986 = vector.load %arg4[%get3A_982, %get3A_983, %get3A_984, %get3A_985] : memref<1x25x32x512xf32, #tpu.memory_space<vmem>>, vector<1x1x32x512xf32>
    %get3A_987 = vector.shape_cast %get3A_986 : vector<1x1x32x512xf32> to vector<32x512xf32>
    %select_n3A_988 = arith.select %eq3A_981, %get3A_987, %select_n3A_978 : vector<32x512xi1>, vector<32x512xf32>
    %eq3A_989 = arith.constant 23 : i32
    %eq3A_990 = vector.broadcast %eq3A_989 : i32 to vector<32x512xi32>
    %eq3A_991 = arith.cmpi eq, %get3A_762, %eq3A_990 : vector<32x512xi32>
    %get3A_992 = arith.constant 0 : index
    %get3A_993 = arith.constant 23 : index
    %get3A_994 = arith.constant 0 : index
    %get3A_995 = arith.constant 0 : index
    %get3A_996 = vector.load %arg4[%get3A_992, %get3A_993, %get3A_994, %get3A_995] : memref<1x25x32x512xf32, #tpu.memory_space<vmem>>, vector<1x1x32x512xf32>
    %get3A_997 = vector.shape_cast %get3A_996 : vector<1x1x32x512xf32> to vector<32x512xf32>
    %select_n3A_998 = arith.select %eq3A_991, %get3A_997, %select_n3A_988 : vector<32x512xi1>, vector<32x512xf32>
    %eq3A_999 = arith.constant 24 : i32
    %eq3A_1000 = vector.broadcast %eq3A_999 : i32 to vector<32x512xi32>
    %eq3A_1001 = arith.cmpi eq, %get3A_762, %eq3A_1000 : vector<32x512xi32>
    %get3A_1002 = arith.constant 0 : index
    %get3A_1003 = arith.constant 24 : index
    %get3A_1004 = arith.constant 0 : index
    %get3A_1005 = arith.constant 0 : index
    %get3A_1006 = vector.load %arg4[%get3A_1002, %get3A_1003, %get3A_1004, %get3A_1005] : memref<1x25x32x512xf32, #tpu.memory_space<vmem>>, vector<1x1x32x512xf32>
    %get3A_1007 = vector.shape_cast %get3A_1006 : vector<1x1x32x512xf32> to vector<32x512xf32>
    %select_n3A_1008 = arith.select %eq3A_1001, %get3A_1007, %select_n3A_998 : vector<32x512xi1>, vector<32x512xf32>
    %log3A_1009 = math.log %select_n3A_1008 : vector<32x512xf32>
    %add3A_1010 = arith.addf %add3A_757, %log3A_1009 : vector<32x512xf32>
    %mul3A = arith.mulf %add3A_1010, %get3A_1 : vector<32x512xf32>
    %reduce_sum3A = vector.shape_cast %mul3A : vector<32x512xf32> to vector<1x32x512xf32>
    %reduce_sum3A_1011 = arith.constant dense<0.000000e+00> : vector<1xf32>
    %reduce_sum3A_1012 = vector.multi_reduction <add>, %reduce_sum3A, %reduce_sum3A_1011 [1, 2] : vector<1x32x512xf32> to vector<1xf32>
    %reduce_sum3A_1013 = vector.shape_cast %reduce_sum3A_1012 : vector<1xf32> to vector<1x1x1xf32>
    %reduce_sum3A_1014 = vector.extract %reduce_sum3A_1013[0, 0, 0] : f32 from vector<1x1x1xf32>
    %eq3A_1015 = arith.constant 0 : i32
    %eq3A_1016 = arith.cmpi eq, %arg0, %eq3A_1015 : i32
    %convert_element_type3A = arith.extui %eq3A_1016 : i1 to i32
    %cond3A = arith.constant 0 : i32
    %cond3A_1017 = arith.cmpi ne, %convert_element_type3A, %cond3A : i32
    scf.if %cond3A_1017 {
      %swap3A_1024 = arith.constant 0.000000e+00 : f32
      %swap3A_1025 = arith.constant 0 : index
      %swap3A_1026 = arith.constant 0 : index
      %swap3A_1027 = memref.load %arg10[%swap3A_1025, %swap3A_1026] : memref<1x1xf32, #tpu.memory_space<smem>>
      memref.store %swap3A_1024, %arg10[%swap3A_1025, %swap3A_1026] : memref<1x1xf32, #tpu.memory_space<smem>>
    } else {
    }
    %get3A_1018 = arith.constant 0 : index
    %get3A_1019 = arith.constant 0 : index
    %get3A_1020 = memref.load %arg10[%get3A_1018, %get3A_1019] : memref<1x1xf32, #tpu.memory_space<smem>>
    %add3A_1021 = arith.addf %get3A_1020, %reduce_sum3A_1014 : f32
    %swap3A = arith.constant 0 : index
    %swap3A_1022 = arith.constant 0 : index
    %swap3A_1023 = memref.load %arg10[%swap3A, %swap3A_1022] : memref<1x1xf32, #tpu.memory_space<smem>>
    memref.store %add3A_1021, %arg10[%swap3A, %swap3A_1022] : memref<1x1xf32, #tpu.memory_space<smem>>
    return
  }
  func.func @transform_0(%arg0: i32) -> (i32, i32, i32, i32) {
    %c0_i32 = arith.constant 0 : i32
    %c0_i32_0 = arith.constant 0 : i32
    %c0_i32_1 = arith.constant 0 : i32
    %c0_i32_2 = arith.constant 0 : i32
    return %c0_i32, %c0_i32_0, %arg0, %c0_i32_1 : i32, i32, i32, i32
  }
  func.func @transform_1(%arg0: i32) -> (i32, i32, i32, i32) {
    %c0_i32 = arith.constant 0 : i32
    %c0_i32_0 = arith.constant 0 : i32
    %c0_i32_1 = arith.constant 0 : i32
    %c0_i32_2 = arith.constant 0 : i32
    return %c0_i32, %c0_i32_0, %arg0, %c0_i32_1 : i32, i32, i32, i32
  }
  func.func @transform_2(%arg0: i32) -> (i32, i32, i32, i32) {
    %c0_i32 = arith.constant 0 : i32
    %c0_i32_0 = arith.constant 0 : i32
    %c0_i32_1 = arith.constant 0 : i32
    %c0_i32_2 = arith.constant 0 : i32
    return %c0_i32, %c0_i32_0, %arg0, %c0_i32_1 : i32, i32, i32, i32
  }
  func.func @transform_3(%arg0: i32) -> (i32, i32, i32, i32) {
    %c0_i32 = arith.constant 0 : i32
    %c0_i32_0 = arith.constant 0 : i32
    %c0_i32_1 = arith.constant 0 : i32
    %c0_i32_2 = arith.constant 0 : i32
    return %c0_i32, %c0_i32_0, %arg0, %c0_i32_1 : i32, i32, i32, i32
  }
  func.func @transform_4(%arg0: i32) -> (i32, i32) {
    %c0_i32 = arith.constant 0 : i32
    %c0_i32_0 = arith.constant 0 : i32
    return %arg0, %c0_i32 : i32, i32
  }
  func.func @transform_5(%arg0: i32) -> (i32, i32, i32) {
    %c0_i32 = arith.constant 0 : i32
    %c0_i32_0 = arith.constant 0 : i32
    %c0_i32_1 = arith.constant 0 : i32
    return %c0_i32, %arg0, %c0_i32_0 : i32, i32, i32
  }
  func.func @transform_6(%arg0: i32) -> (i32, i32, i32) {
    %c0_i32 = arith.constant 0 : i32
    %c0_i32_0 = arith.constant 0 : i32
    %c0_i32_1 = arith.constant 0 : i32
    return %c0_i32, %arg0, %c0_i32_0 : i32, i32, i32
  }
  func.func @transform_7(%arg0: i32) -> (i32, i32, i32) {
    %c0_i32 = arith.constant 0 : i32
    %c0_i32_0 = arith.constant 0 : i32
    %c0_i32_1 = arith.constant 0 : i32
    return %c0_i32, %arg0, %c0_i32_0 : i32, i32, i32
  }
  func.func @transform_8(%arg0: i32) -> (i32, i32, i32) {
    %c0_i32 = arith.constant 0 : i32
    %c0_i32_0 = arith.constant 0 : i32
    %c0_i32_1 = arith.constant 0 : i32
    return %c0_i32, %arg0, %c0_i32_0 : i32, i32, i32
  }
  func.func @transform_9(%arg0: i32) -> (i32, i32) {
    %c0_i32 = arith.constant 0 : i32
    %c0_i32_0 = arith.constant 0 : i32
    %c0_i32_1 = arith.constant 0 : i32
    return %c0_i32, %c0_i32_0 : i32, i32
  }
}

</mosaic_0001>

<sc_bundles>
// kernel: kernel.4.cloned.1.call-start
scs
__scs_entry_jumppad:
0x0: {  	(pc) =	sbr.rel $0x88, $3  }
0x1: {  	(tag) =	ssettag $0x0;
	lr =	simm.s32 $0x1  }
0x2: {  	[smem:$0x3F98] =	sst lr;
	_ =	strace $0xD0000000  }
0x3: {  	_ = 	snop  }
0x4: {  	_ = 	snop  }
0x5: {  	_ = 	snop  }
0x6: {  	_ = 	snop  }
0x7: {  	_ = 	snop  }
__scs_overlays_trampoline_lowered:
0x8: {  	[smem:$0x3FA7] =	sst s0  }
0x9: {  	[smem:$0x3FA8] =	sst s1  }
0xa: {  	[smem:$0x3FA9] =	sst s2  }
0xb: {  	[smem:$0x3FAA] =	sst s3  }
0xc: {  	[smem:$0x3FAB] =	sst s4  }
0xd: {  	[smem:$0x3FAC] =	sst s5  }
0xe: {  	[smem:$0x3FAD] =	sst s6  }
0xf: {  	[smem:$0x3FAE] =	sst s7  }
0x10: {  	[smem:$0x3FAF] =	sst s8  }
0x11: {  	[smem:$0x3FB0] =	sst s9;
	s0 =	simm.s32 @!p0 $0x0  }
0x12: {  	s1 =	sld [smem:$0x3F96];
	s0 =	simm.s32 @p0 $0x1  }
0x13: {  	[smem:$0x3FB1] =	sst s0;
	s0 =	simm.s32 @!p1 $0x0  }
0x14: {  	s2 =	sld [smem:$0x3F95];
	s0 =	simm.s32 @p1 $0x1  }
0x15: {  	[smem:$0x3FB2] =	sst s0;
	s0 =	simm.s32 @!p2 $0x0  }
0x16: {  	s3 =	sld [smem:$0x3FDB];
	s0 =	simm.s32 @p2 $0x1  }
0x17: {  	s4 =	simm.s32 $0x1BF5;
	[smem:$0x3FB4] =	sst s0  }
0x18: {  	s0 =	sld [smem:$0x3F97];
	_ =	swait.ge [sflag:s4], $0x0  }
0x19: {  	s7 =	sld [smem:$0x3F98]  }
0x1a: {  	s8 =	sadd.s32 $0xFFFFE003, lr  }
0x1b: {  	s9 =	sadd.s32 $0xFFFFFEF7, lr;
	s5 =	simm.s32 $0xFFFFFFFF;
	p2 =	slt.u32 s8, $0xFFFFF086  }
0x1c: {  	p1 =	slt.u32 s9, $0xF7A;
	s5 =	simm.s32 @!p2 $0x0  }
0x1d: {  	s5 =	simm.s32 @p1 $0x1;
	p0 =	seq.s32 s7, s2  }
0x1e: {  	s7 =	smul.u32 @!p0 $0xF7A, s2;
	p2 =	seq.s32 @!p0 s5, $0x0  }
0x1f: {  	s9 =	smul.u32 $0xF7A, s1;
	s8 =	simm.s32 @!p0 $0x1BF5;
	p2 =	por !p2, p0  }
0x20: {  	[sflag:s8] =	ssyncset.s32 @!p0 $0xFFFFF086;
	s6 =	sadd.s32 @!p0 s3, s7;
	s7 =	simm.s32 @!p0 $0x108  }
0x21: {  	s3 =	sadd.s32 s3, s9;
	s6 =	sadd.s32 @!p0 $0x88, s6;
	s7 =	simm.s32 @p2 $0x1082  }
0x22: {  	[simem:s7], [sflag:s8] =	dma.local @!p0 [hbm:s6], $0xF7A  }
0x23: {  	s9 =	sor.u32 $0xD0000000, s2;
	s6 =	simm.s32 $0x108;
	_ =	swait.ge @!p0 [sflag:s8], $0x0  }
0x24: {  	s3 =	sadd.s32 $0x88, s3;
	s6 =	simm.s32 @!p1 $0x1082;
	[sflag:s4] =	ssyncset.s32 $0xFFFFF086  }
0x25: {  	[simem:s6], [sflag:s4] =	dma.local [hbm:s3], $0xF7A  }
0x26: {  	[smem:$0x3F98] =	sst s1;
	(tag) =	ssettag s2;
	_ =	strace s9  }
0x27: {  	s1 =	sld [smem:$0x3FA8]  }
0x28: {  	s2 =	sld [smem:$0x3FA9]  }
0x29: {  	s4 =	sld [smem:$0x3FAB]  }
0x2a: {  	p0 =	seq.s32 s5, $0x0;
	s5 =	sld [smem:$0x3FAC]  }
0x2b: {  	s6 =	sld [smem:$0x3FAD]  }
0x2c: {  	s7 =	sld [smem:$0x3FAE]  }
0x2d: {  	s3 =	simm.s32 $0x108;
	s8 =	sld [smem:$0x3FAF]  }
0x2e: {  	s3 =	simm.s32 @!p0 $0x1082;
	s9 =	sld [smem:$0x3FB0]  }
0x2f: {  	lr =	sadd.s32 s0, s3;
	s0 =	sld [smem:$0x3FA7]  }
0x30: {  	s3 =	sld [smem:$0x3FAA]  }
0x31: {  	[smem:$0x3FB3] =	sst s10  }
0x32: {  	s10 =	sld [smem:$0x3FB1];
	_ =	sdelay $0x3  }
0x33: {  	p0 =	seq.s32 s10, $0x1;
	s10 =	sld [smem:$0x3FB3];
	_ =	sdelay $0x3  }
0x34: {  	[smem:$0x3FB3] =	sst s10  }
0x35: {  	s10 =	sld [smem:$0x3FB2];
	_ =	sdelay $0x3  }
0x36: {  	p1 =	seq.s32 s10, $0x1;
	s10 =	sld [smem:$0x3FB3];
	_ =	sdelay $0x3  }
0x37: {  	[smem:$0x3FB3] =	sst s10  }
0x38: {  	s10 =	sld [smem:$0x3FB4]  }
0x39: {  	_ = 	snop;
	(pc) =	sbr.ind lr, $3  }
0x3a: {  	_ = 	snop  }
0x3b: {  	_ = 	snop  }
0x3c: {  	p2 =	seq.s32 s10, $0x1;
	s10 =	sld [smem:$0x3FB3]  }
0x3d: {  	_ =	shalt  }
0x3e: {  	_ =	shalt  }
0x3f: {  	_ =	shalt  }
0x40: {  	_ =	shalt  }
0x41: {  	_ =	shalt  }
0x42: {  	_ =	shalt  }
0x43: {  	_ =	shalt  }
0x44: {  	_ =	shalt  }
0x45: {  	_ =	shalt  }
0x46: {  	_ =	shalt  }
0x47: {  	_ =	shalt  }
0x48: {  	_ =	shalt  }
0x49: {  	_ =	shalt  }
0x4a: {  	_ =	shalt  }
0x4b: {  	_ =	shalt  }
0x4c: {  	_ =	shalt  }
0x4d: {  	_ =	shalt  }
0x4e: {  	_ =	shalt  }
0x4f: {  	_ =	shalt  }
0x50: {  	_ =	shalt  }
0x51: {  	_ =	shalt  }
0x52: {  	_ =	shalt  }
0x53: {  	_ =	shalt  }
0x54: {  	_ =	shalt  }
0x55: {  	_ =	shalt  }
0x56: {  	_ =	shalt  }
0x57: {  	_ =	shalt  }
0x58: {  	_ =	shalt  }
0x59: {  	_ =	shalt  }
0x5a: {  	_ =	shalt  }
0x5b: {  	_ =	shalt  }
0x5c: {  	_ =	shalt  }
0x5d: {  	_ =	shalt  }
0x5e: {  	_ =	shalt  }
0x5f: {  	_ =	shalt  }
0x60: {  	_ =	shalt  }
0x61: {  	_ =	shalt  }
0x62: {  	_ =	shalt  }
0x63: {  	_ =	shalt  }
0x64: {  	_ =	shalt  }
0x65: {  	_ =	shalt  }
0x66: {  	_ =	shalt  }
0x67: {  	_ =	shalt  }
0x68: {  	_ =	shalt  }
0x69: {  	_ =	shalt  }
0x6a: {  	_ =	shalt  }
0x6b: {  	_ =	shalt  }
0x6c: {  	_ =	shalt  }
0x6d: {  	_ =	shalt  }
0x6e: {  	_ =	shalt  }
0x6f: {  	_ =	shalt  }
0x70: {  	_ =	shalt  }
0x71: {  	_ =	shalt  }
0x72: {  	_ =	shalt  }
0x73: {  	_ =	shalt  }
0x74: {  	_ =	shalt  }
0x75: {  	_ =	shalt  }
0x76: {  	_ =	shalt  }
0x77: {  	_ =	shalt  }
0x78: {  	_ =	shalt  }
0x79: {  	_ =	shalt  }
0x7a: {  	_ =	shalt  }
0x7b: {  	_ =	shalt  }
0x7c: {  	_ =	shalt  }
0x7d: {  	_ =	shalt  }
0x7e: {  	_ =	shalt  }
0x7f: {  	_ =	shalt  }
0x80: {  	_ =	shalt  }
0x81: {  	_ =	shalt  }
0x82: {  	_ =	shalt  }
0x83: {  	_ =	shalt  }
0x84: {  	_ =	shalt  }
0x85: {  	_ =	shalt  }
0x86: {  	_ =	shalt  }
0x87: {  	_ =	shalt  }
.Lfunc_end0:
.L_simem_size_0:
called_computation_lowered:
.L_overlay_start_0:
0x88: {  	s2 =	sld [smem:$0x3FD9]  }
0x89: {  	s3 =	sld [smem:$0x3FFE];
	_ =	sdelay $0x1  }
0x8a: {  	s1 =	srdreg.scid  }
0x8b: {  	s0 =	sand.u32 $0x1, s1  }
0x8c: {  	s17 =	sshll.u32 s0, $0xA;
	s2 =	sadd.s32 s3, s2  }
0x8d: {  	s2 =	sadd.s32 s2, s17  }
0x8e: {  	[smem:$0x3FBF] =	sst s2  }
0x8f: {  	_ = 	snop  }
0x90: {  	s2 =	sld [smem:$0x3FC4]  }
0x91: {  	s18 =	sld [smem:$0x3FC3]  }
0x92: {  	s4 =	sld [smem:$0x3FC2]  }
0x93: {  	s5 =	sld [smem:$0x3FC1];
	(tm) =	ssettm $0x1  }
0x94: {  	s6 =	sld [smem:$0x3FFB];
	_ =	sdelay $0x3  }
0x95: {  	_ =	strace s6  }
0x96: {  	s6 =	sld [smem:$0x3FFC];
	_ =	sdelay $0x3  }
0x97: {  	_ =	strace s6  }
0x98: {  	s6 =	sld [smem:$0x3FFD];
	_ =	sdelay $0x3  }
0x99: {  	_ =	strace s6  }
0x9a: {  	_ =	strace $0x8FFFFFFF  }
0x9b: {  	s19 =	sld [smem:$0x3FDB];
	_ =	sdelay $0x1  }
0x9c: {  	s7 =	simm.s32 $_scs_section_size  }
0x9d: {  	s8 =	simm.s32 $_size__tile_overlayer_lowered;
	s9 =	simm.s32 $_tile_overlayer_lowered  }
0x9e: {  	s22 =	simm.s32 $0x1BFF;
	s21 =	sshll.u32 s9, $0x1;
	s6 =	sadd.s32 s7, s19  }
0x9f: {  	s10 =	simm.s32 $0x0;
	s20 =	sshll.u32 s8, $0x1;
	s8 =	sadd.s32 s21, s6  }
0xa0: {  	[timem:s10], [sflag:s22] =	dma.local [hbm:s8], s20  }
0xa1: {  	_ =	swait.ge [sflag:s22], s20  }
0xa2: {  	s7 =	ssub.s32 $0x0, s20;
	[sflag:s22] =	ssyncset.done $0x0  }
0xa3: {  	[sflag:s22] =	ssyncadd.s32 s7;
	_ =	sdelay $0x1  }
0xa4: {  	s23 =	simm.s32 $0x1B8B  }
0xa5: {  	_ =	swait.ge [sflag:s23], $0x1  }
0xa6: {  	[sflag:s23] =	ssyncset.done $0x0  }
0xa7: {  	s25 =	simm.s32 $0x1B8E;
	s24 =	sld [smem:$0x3FFE];
	[sflag:s23] =	ssyncadd.s32 $0xFFFFFFFF  }
0xa8: {  	s26 =	simm.s32 $execute0_lowered;
	[smem:$0x3FD2] =	sst s25  }
0xa9: {  	s8 =	sshll.u32 s26, $0x1;
	_ =	strace $0x80000046;
	[dreg:$0x1] =	wrdreg $0xFFFFFFFF  }
0xaa: {  	s28 =	simm.s32 $_size_execute0_lowered;
	s6 =	sadd.s32 s6, s8;
	[dreg:$0x0] =	wrdreg $0x0  }
0xab: {  	s8 =	sshll.u32 s28, $0x1;
	[dreg:$0x2] =	wrdreg s6  }
0xac: {  	[dreg:$0x3] =	wrdreg s8  }
0xad: {  	[dreg:$0x4] =	wrdreg $0xC0  }
0xae: {  	_ =	task [dreg:s10], $0x5FFFF  }
0xaf: {  	[dreg:$0x1] =	wrdreg $0xFFFFFFFF  }
0xb0: {  	[dreg:$0x0] =	wrdreg $0x60  }
0xb1: {  	[dreg:$0x2] =	wrdreg s2  }
0xb2: {  	[dreg:$0x3] =	wrdreg s18  }
0xb3: {  	[dreg:$0x4] =	wrdreg s4  }
0xb4: {  	[dreg:$0x5] =	wrdreg s5  }
0xb5: {  	[dreg:$0x6] =	wrdreg s24  }
0xb6: {  	[dreg:$0x7] =	wrdreg $0x9  }
0xb7: {  	_ =	task.clear_ibuf [dreg:s10], $0x8FFFF;
	_ =	strace $0x90000046  }
0xb8: {  	s29 =	simm.s32 $0x9;
	_ =	strace $0x80000048  }
0xb9: {  	_ =	swait.ge [sflag:s29], $0x1  }
0xba: {  	[sflag:s29] =	ssyncadd.s32 $0xFFFFFFFF  }
0xbb: {  	_ =	strace $0x90000048  }
0xbc: {  	_ =	sfence  }
0xbd: {  	s30 =	sld [smem:$0x0];
	_ =	sdelay $0x2  }
0xbe: {  	s31 =	sshll.u32 s1, $0xD;
	s1 =	sshrl.u32 s1, $0x2  }
0xbf: {  	s3 =	sand.u32 $0x4000, s31;
	s1 =	sadd.s32 s1, s30  }
0xc0: {  	s0 =	sor.u32 s3, s0;
	s1 =	sshll.u32 s1, $0x11  }
0xc1: {  	s0 =	sor.u32 s1, s0  }
0xc2: {  	s0 =	sadd.s32 $0x8F2B, s0  }
0xc3: {  	[sflag:s0] =	ssyncadd.remote.s32 $0x1  }
0xc4: {  	_ =	sfence.sel $0xFFFF  }
0xc5: {  	[dreg:$0x0] =	wrdreg $0xFFFFFFFF;
	(pc) =	sbr.abs _section_cstart, $3  }
0xc6: {  	[dreg:$0x1] =	wrdreg $0xFFFFFFFF  }
0xc7: {  	_ =	task.clear_ibuf [dreg:s10], $0x2FFFF;
	_ =	strace $0x9FFFFFFF  }
0xc8: {  	(tm) =	ssettm $0x7FFFFFFF  }
0xc9: {  	_ =	shalt  }
tec
execute0_lowered:
.L_overlay_start_1:
0x0: {  	(tag) =	ssettag $0x1  }
0x1: {  	s3 =	rddreg [dreg:$0x0]  }
0x2: {  	s7 =	rddreg [dreg:$0x1];
	s1 =	srdreg.scid  }
0x3: {  	s0 =	stileid.u32;
	s8 =	rddreg [dreg:$0x2]  }
0x4: {  	s9 =	rddreg [dreg:$0x3];
	s10 =	sand.u32 $0x1, s1;
	s29 =	sshll.u32 s0, $0x1  }
0x5: {  	s12 =	rddreg [dreg:$0x4];
	s11 =	sor.u32 s10, s29  }
0x6: {  	s2 =	simm.s32 $0x0;
	s4 =	sshll.u32 s0, $0x7;
	s5 =	sshll.u32 s11, $0x4  }
0x7: {  	s6 =	simm.s32 $0x400;
	[smem:$0x7FF] =	sst s2;
	s4 =	sor.u32 s4, s5  }
0x8: {  	s1 =	rddreg [dreg:$0x5];
	_ =	strace $0x80000047;
	s13 =	sand.u32 $0x670, s4  }
0x9: {  	s5 =	simm.s32 $0x1;
	s4 =	simm.s32 $0x80;
	s3 =	sadd.s32 s3, s13  }
0xa: {  	[tilespmem:s2], [sflag:$0x1] =	stream.strided.gather [hbm4b:s3+s4], $0x200, s6, s4, $0x38;
	[tilespmem:$0x280] =	vst v63  }
0xb: {  	_ =	swait.ge [sflag:s5], $0x200  }
0xc: {  	[sflag:s5] =	ssyncset.done $0x0  }
0xd: {  	s7 =	sadd.s32 s7, s13;
	[sflag:s5] =	ssyncadd.s32 $0xFFFFFE00  }
0xe: {  	v0 =	vld [tilespmem:$0x0];
	[tilespmem:s2], [sflag:$0x1] =	stream.strided.gather [hbm4b:s7+s4], $0x200, s6, s4, $0x38  }
0xf: {  	_ =	swait.ge [sflag:s5], $0x200  }
0x10: {  	[sflag:s5] =	ssyncset.done $0x0  }
0x11: {  	s8 =	sadd.s32 s8, s13;
	[sflag:s5] =	ssyncadd.s32 $0xFFFFFE00  }
0x12: {  	v1 =	vld [tilespmem:$0x0];
	[tilespmem:s2], [sflag:$0x1] =	stream.strided.gather [hbm4b:s8+s4], $0x200, s6, s4, $0x38  }
0x13: {  	_ =	swait.ge [sflag:s5], $0x200  }
0x14: {  	[sflag:s5] =	ssyncset.done $0x0  }
0x15: {  	s9 =	sadd.s32 s9, s13;
	[sflag:s5] =	ssyncadd.s32 $0xFFFFFE00  }
0x16: {  	v2 =	vld [tilespmem:$0x0];
	[tilespmem:s2], [sflag:$0x1] =	stream.strided.gather [hbm4b:s9+s4], $0x200, s6, s4, $0x38  }
0x17: {  	_ =	swait.ge [sflag:s5], $0x200  }
0x18: {  	[sflag:s5] =	ssyncset.done $0x0  }
0x19: {  	[sflag:s5] =	ssyncadd.s32 $0xFFFFFE00  }
0x1a: {  	v3 =	vld [tilespmem:$0x0]  }
0x1b: {  	v0 =	vcvt.s32.f32 v0;
	v1 =	vcvt.s32.f32 v1;
	_ =	sdelay $0x1  }
0x1c: {  	s10 =	ssub.s32 $0x2, s10;
	v0 =	vadd.f32 v1, v0;
	v2 =	vcvt.s32.f32 v2  }
0x1d: {  	s30 =	sshrl.u32 s10, $0x1  }
0x1e: {  	s11 =	sshll.u32 s11, $0x1;
	s31 =	ssub.s32 s10, s30;
	v0 =	vadd.f32 v2, v0;
	v63 =	vcvt.s32.f32 v3  }
0x1f: {  	s11 =	sadd.s32 s11, s12;
	s12 =	smax.u32 s31, $0x1  }
0x20: {  	p0 =	sne.s32 s12, $0x1;
	v0 =	vadd.f32 v63, v0  }
.Ltmp0:
0x21: {  	_ = 	snop;
	(pc) =	sbr.rel @!p0 .LBB2_2-.Ltmp0, $4  }
0x22: {  	s10 =	sadd.s32 $0xC00, s11;
	s11 =	simm.s32 $0x200;
	[tilespmem:$0x200] =	vst v0  }
0x23: {  	[hbm4b:s10+s2] =	stream.linear.scatter [tilespmem:s11], [sflag:$0x1], $0x10, $0x38;
	[tilespmem:$0x280] =	vst v63  }
0x24: {  	_ =	swait.ge [sflag:s5], $0x10  }
0x25: {  	s12 =	sadd.s32 $0xFFFFFFFF, s12;
	[sflag:s5] =	ssyncset.done $0x0  }
.LBB2_1:
0x26: {  	p0 =	sne.s32 s12, $0x1;
	s12 =	sadd.s32 $0xFFFFFFFF, s12;
	[sflag:s5] =	ssyncadd.s32 $0xFFFFFFF0  }
0x27: {  	[tilespmem:s2], [sflag:$0x1] =	stream.strided.gather [hbm4b:s3+s4], $0x200, s6, s4, $0x38;
	[tilespmem:$0x280] =	vst v63  }
0x28: {  	_ =	swait.ge [sflag:s5], $0x200  }
0x29: {  	[sflag:s5] =	ssyncset.done $0x0  }
0x2a: {  	[sflag:s5] =	ssyncadd.s32 $0xFFFFFE00  }
0x2b: {  	v0 =	vld [tilespmem:$0x0]  }
0x2c: {  	[tilespmem:s2], [sflag:$0x1] =	stream.strided.gather [hbm4b:s7+s4], $0x200, s6, s4, $0x38;
	[tilespmem:$0x280] =	vst v63  }
0x2d: {  	_ =	swait.ge [sflag:s5], $0x200  }
0x2e: {  	[sflag:s5] =	ssyncset.done $0x0  }
0x2f: {  	[sflag:s5] =	ssyncadd.s32 $0xFFFFFE00  }
0x30: {  	v1 =	vld [tilespmem:$0x0]  }
0x31: {  	[tilespmem:s2], [sflag:$0x1] =	stream.strided.gather [hbm4b:s8+s4], $0x200, s6, s4, $0x38;
	[tilespmem:$0x280] =	vst v63  }
0x32: {  	_ =	swait.ge [sflag:s5], $0x200  }
0x33: {  	[sflag:s5] =	ssyncset.done $0x0  }
0x34: {  	[sflag:s5] =	ssyncadd.s32 $0xFFFFFE00  }
0x35: {  	v1 =	vcvt.s32.f32 v1;
	v2 =	vld [tilespmem:$0x0]  }
0x36: {  	[tilespmem:s2], [sflag:$0x1] =	stream.strided.gather [hbm4b:s9+s4], $0x200, s6, s4, $0x38;
	[tilespmem:$0x280] =	vst v63  }
0x37: {  	_ =	swait.ge [sflag:s5], $0x200  }
0x38: {  	[sflag:s5] =	ssyncset.done $0x0  }
0x39: {  	[sflag:s5] =	ssyncadd.s32 $0xFFFFFE00  }
0x3a: {  	v2 =	vcvt.s32.f32 v2;
	v3 =	vld [tilespmem:$0x0]  }
0x3b: {  	v0 =	vcvt.s32.f32 v0;
	_ =	sdelay $0x1  }
0x3c: {  	v0 =	vadd.f32 v1, v0;
	_ =	sdelay $0x1  }
0x3d: {  	v0 =	vadd.f32 v2, v0;
	v1 =	vcvt.s32.f32 v3;
	_ =	sdelay $0x1  }
0x3e: {  	v0 =	vadd.f32 v1, v0  }
.Ltmp1:
0x3f: {  	(pc) =	sbr.rel @p0 .LBB2_1-.Ltmp1, $4  }
0x40: {  	[tilespmem:$0x200] =	vst v0  }
0x41: {  	[hbm4b:s10+s2] =	stream.linear.scatter [tilespmem:s11], [sflag:$0x1], $0x10, $0x38;
	[tilespmem:$0x280] =	vst v63  }
0x42: {  	_ =	swait.ge [sflag:s5], $0x10  }
0x43: {  	[sflag:s5] =	ssyncset.done $0x0  }
.LBB2_2:
0x44: {  	[sflag:s5] =	ssyncadd.s32 $0xFFFFFFF0  }
0x45: {  	_ =	sfence.sel $0x180000  }
0x46: {  	[bflag:$0x0] =	sbarrier.arrive $0xFFFF  }
0x47: {  	p0 =	sne.s32 s0, $0x0;
	_ =	strace $0x90000047  }
0x48: {  	s0 =	sadd.s32 @!p0 $0x100000, s1;
	[bflag:$0x2] =	sbarrier.arrive $0xFFFF  }
0x49: {  	[sflag:s0] =	ssyncadd.tile.s32 @!p0 $0x1;
	_ =	shalt  }
.Lfunc_end2:
_tile_overlayer_lowered:
.L_overlay_start_2:
0x4a: {  	(tag) =	ssettag $0x2  }
0x4b: {  	s0 =	rddreg [dreg:$0x0];
	s2 =	stileid.u32  }
0x4c: {  	s1 =	rddreg [dreg:$0x1];
	p0 =	sne.s32 s2, $0x0  }
0x4d: {  	s3 =	rddreg [dreg:$0x2];
	[bflag:$0x3] =	sbarrier.arrive $0xFFFF;
	s2 =	simm.s32 @!p0 $0x1C01  }
0x4e: {  	[timem:s3], [sflag:s2] =	dma.local @!p0 [hbm:s0], s1  }
0x4f: {  	s0 =	simm.s32 @!p0 $0x1  }
0x50: {  	_ =	swait.ge @!p0 [sflag:s0], s1  }
0x51: {  	s1 =	ssub.s32 @!p0 $0x0, s1;
	[sflag:s0] =	ssyncset.done @!p0 $0x0  }
0x52: {  	[sflag:s0] =	ssyncadd.s32 @!p0 s1  }
0x53: {  	[bflag:$0x3] =	sbarrier.arrive $0xFFFF  }
0x54: {  	_ =	shalt  }

</sc_bundles>
